<compile_context>
chip_gen: v7x
topology: tpu7x:2x2x1
jax: 0.10.2.dev20260603
libtpu: 0.0.44.dev20260713+nightly
codegen_flags: <defaults>
</compile_context>

<pallas_src>
import functools

import jax
import jax.numpy as jnp
from jax import lax
from jax.experimental import pallas as pl
from jax.experimental.pallas import tpu as pltpu
from jax.experimental.pallas import tpu_sc as plsc

V = 16384
N = 4096
VB = 1024
GRID = V // VB

_SC_INFO = plsc.get_sparse_core_info()
_NC = _SC_INFO.num_cores
_NS = _SC_INFO.num_subcores
_NW = _NC * _NS
_BPW = V // _NW
_LANES = _SC_INFO.num_lanes


def _nn_body(af_ref, bf_ref, o_ref):
    ab = jnp.dot(af_ref[...], bf_ref[...], preferred_element_type=jnp.float32)

    af = af_ref[...]
    a2 = jnp.sum(af * af, axis=1, keepdims=True)
    bf = bf_ref[...]
    b2 = jnp.sum(bf * bf, axis=0, keepdims=True)

    d2 = jnp.maximum(a2 + b2 - 2.0 * ab, 0.0)
    v = jnp.sqrt(d2)
    minval = jnp.min(v, axis=1, keepdims=True)
    iota = jax.lax.broadcasted_iota(jnp.int32, v.shape, 1)
    idx = jnp.min(jnp.where(v == minval, iota, jnp.int32(N)),
                  axis=1)
    o_ref[...] = idx.reshape(1, 1, VB)


def _sc_gather_body(idx_hbm, f0_hbm, f1_hbm, out_hbm,
                    idx_v, g0_v, g1_v, out_v, sem):
    wid = lax.axis_index("s") * _NC + lax.axis_index("c")
    base = wid * _BPW
    pltpu.sync_copy(idx_hbm.at[pl.ds(base, _BPW)], idx_v)
    pltpu.async_copy(f0_hbm.at[idx_v], g0_v, sem).wait()
    pltpu.async_copy(f1_hbm.at[idx_v], g1_v, sem).wait()
    for i in range(_BPW // _LANES):
        sl = pl.ds(i * _LANES, _LANES)
        s = 0.6 * jnp.abs(g0_v[sl]) + 0.4 * g1_v[sl]
        out_v[sl] = 1.0 / (1.0 + jnp.exp(-s))
    pltpu.sync_copy(out_v, out_hbm.at[pl.ds(base, _BPW)])


def kernel(radar_voxel_feat, lidar_voxel_coords, radar_voxel_coords):
    af = lidar_voxel_coords.astype(jnp.float32)
    bf = radar_voxel_coords.astype(jnp.float32).T

    idx = pl.pallas_call(
        _nn_body,
        grid=(GRID,),
        in_specs=[
            pl.BlockSpec((VB, 3), lambda i: (i, 0)),
            pl.BlockSpec((3, N), lambda i: (0, 0)),
        ],
        out_specs=pl.BlockSpec((1, 1, VB), lambda i: (i, 0, 0)),
        out_shape=jax.ShapeDtypeStruct((GRID, 1, VB), jnp.int32),
    )(af, bf).reshape(V)

    f0 = radar_voxel_feat[:, 0]
    f1 = radar_voxel_feat[:, 1]

    mesh = plsc.VectorSubcoreMesh(core_axis_name="c", subcore_axis_name="s")
    gather = functools.partial(
        pl.kernel,
        mesh=mesh,
        out_type=jax.ShapeDtypeStruct((V,), jnp.float32),
        scratch_types=[
            pltpu.VMEM((_BPW,), jnp.int32),
            pltpu.VMEM((_BPW,), jnp.float32),
            pltpu.VMEM((_BPW,), jnp.float32),
            pltpu.VMEM((_BPW,), jnp.float32),
            pltpu.SemaphoreType.DMA,
        ],
    )(_sc_gather_body)
    return gather(idx, f0, f1)

# --- scband reference (transcript-rebuilt; emitter-appended) ---
"""Pipeline reference for scband-modal-synergy-cross-weight-81698867904876 (READ-ONLY COPY).

The authoritative reference and input builder live on the scoring server;
editing this copy changes nothing except your own understanding.
"""

import jax, jax.numpy as jnp
import numpy as np

ALPHA = 0.6
BETA = 0.4


def setup_inputs(seed: int = 0) -> dict:
    key = jax.random.key(seed)
    k1, k2, k3 = jax.random.split(key, 3)
    radar_voxel_feat = jax.random.normal(k1, (4096, 64), dtype=jnp.float32)
    lidar_voxel_coords = jax.random.randint(k2, (16384, 3), 0, 1024, dtype=jnp.int32)
    radar_voxel_coords = jax.random.randint(k3, (4096, 3), 0, 1024, dtype=jnp.int32)
    return {
        "radar_voxel_feat": radar_voxel_feat,
        "lidar_voxel_coords": lidar_voxel_coords,
        "radar_voxel_coords": radar_voxel_coords,
    }


def _cdist(a, b):
    # Euclidean pairwise distance, torch.cdist(p=2) equivalent
    a2 = jnp.sum(a * a, axis=1, keepdims=True)  # [V,1]
    b2 = jnp.sum(b * b, axis=1)                 # [N]
    d2 = a2 + b2[None, :] - 2.0 * (a @ b.T)
    d2 = jnp.maximum(d2, 0.0)
    return jnp.sqrt(d2)


def reference(radar_voxel_feat, lidar_voxel_coords, radar_voxel_coords):
    doppler = jnp.abs(radar_voxel_feat[:, 0])
    power = radar_voxel_feat[:, 1]
    radar_saliency = ALPHA * doppler + BETA * power  # [N]
    dist = _cdist(lidar_voxel_coords.astype(jnp.float32),
                  radar_voxel_coords.astype(jnp.float32))  # [V,N]
    min_dist_idx = jnp.argmin(dist, axis=-1)  # [V]
    w_modal = jnp.take(radar_saliency, min_dist_idx, axis=0)
    w_modal = jax.nn.sigmoid(w_modal)
    return w_modal

if __name__ == "__main__":
    import jax
    _d = setup_inputs()
    print(jax.jit(kernel)(*tuple(_d.values())))

</pallas_src>

<mosaic_0001>
#map = affine_map<(d0, d1) -> (0)>
module attributes {stable_mosaic.version = 14 : i64} {
  func.func @_sc_gather_body(%arg0: i32, %arg1: i32, %arg2: memref<16384xi32, #tpu.memory_space<hbm>>, %arg3: memref<4096xf32, #tpu.memory_space<hbm>>, %arg4: memref<4096xf32, #tpu.memory_space<hbm>>, %arg5: memref<16384xf32, #tpu.memory_space<hbm>>, %arg6: memref<512xi32, #tpu.memory_space<vmem>>, %arg7: memref<512xf32, #tpu.memory_space<vmem>>, %arg8: memref<512xf32, #tpu.memory_space<vmem>>, %arg9: memref<512xf32, #tpu.memory_space<vmem>>, %arg10: memref<!tpu.dma_semaphore, #tpu.memory_space<semaphore_mem>>) attributes {dimension_semantics = [#tpu.dimension_semantics<core_parallel>, #tpu.dimension_semantics<subcore_parallel>], iteration_bounds = array<i64: 2, 16>, scalar_prefetch = 0 : i64, scratch_operands = 5 : i64, tpu.core_type = #tpu.core_type<sc_vector_subcore>, window_params = [{transform_indices = #map}, {transform_indices = #map}, {transform_indices = #map}, {transform_indices = #map}]} {
    %mul3A = arith.constant 2 : i32
    %mul3A_0 = arith.muli %arg1, %mul3A : i32
    %add3A = arith.addi %mul3A_0, %arg0 : i32
    %mul3A_1 = arith.constant 512 : i32
    %mul3A_2 = arith.muli %add3A, %mul3A_1 : i32
    "tpu.region"() ({
      %run_scoped3A = tpu.sem_alloc : memref<!tpu.dma_semaphore, #tpu.memory_space<semaphore_mem>>
      %dma_start3A_899 = tpu.memref_slice %arg2[%mul3A_2] : memref<16384xi32, #tpu.memory_space<hbm>> -> memref<512xi32, #tpu.memory_space<hbm>>
      %dma_start3A_900 = tpu.memref_slice %arg2[%mul3A_2] : memref<16384xi32, #tpu.memory_space<hbm>> -> memref<512xi32, #tpu.memory_space<hbm>>
      tpu.enqueue_dma source(%dma_start3A_900 : memref<512xi32, #tpu.memory_space<hbm>>) target(%arg6 : memref<512xi32, #tpu.memory_space<vmem>>) target_semaphore(%run_scoped3A : memref<!tpu.dma_semaphore, #tpu.memory_space<semaphore_mem>>)
      %dma_wait3A_901 = tpu.memref_slice %arg2[%mul3A_2] : memref<16384xi32, #tpu.memory_space<hbm>> -> memref<512xi32, #tpu.memory_space<hbm>>
      %dma_wait3A_902 = tpu.memref_slice %arg2[%mul3A_2] : memref<16384xi32, #tpu.memory_space<hbm>> -> memref<512xi32, #tpu.memory_space<hbm>>
      tpu.wait_dma2 semaphore(%run_scoped3A : memref<!tpu.dma_semaphore, #tpu.memory_space<semaphore_mem>>) src(%dma_wait3A_902 : memref<512xi32, #tpu.memory_space<hbm>>) dst(%arg6 : memref<512xi32, #tpu.memory_space<vmem>>)
      tpu.yield
    }) : () -> ()
    %dma_start3A = arith.constant 0 : i32
    %dma_start3A_3 = tpu.memref_slice %arg3[%dma_start3A] : memref<4096xf32, #tpu.memory_space<hbm>> -> memref<4096xf32, #tpu.memory_space<hbm>>
    tpu.enqueue_indirect_dma source(%dma_start3A_3 : memref<4096xf32, #tpu.memory_space<hbm>>) target(%arg7 : memref<512xf32, #tpu.memory_space<vmem>>) offsets(%arg6 : memref<512xi32, #tpu.memory_space<vmem>>) semaphore(%arg10 : memref<!tpu.dma_semaphore, #tpu.memory_space<semaphore_mem>>)
    %dma_wait3A = arith.constant 0 : i32
    %dma_wait3A_4 = tpu.memref_slice %arg3[%dma_wait3A] : memref<4096xf32, #tpu.memory_space<hbm>> -> memref<4096xf32, #tpu.memory_space<hbm>>
    tpu.wait_indirect_dma semaphore(%arg10 : memref<!tpu.dma_semaphore, #tpu.memory_space<semaphore_mem>>) src(%dma_wait3A_4 : memref<4096xf32, #tpu.memory_space<hbm>>) dst(%arg7 : memref<512xf32, #tpu.memory_space<vmem>>)
    %dma_start3A_5 = arith.constant 0 : i32
    %dma_start3A_6 = tpu.memref_slice %arg4[%dma_start3A_5] : memref<4096xf32, #tpu.memory_space<hbm>> -> memref<4096xf32, #tpu.memory_space<hbm>>
    tpu.enqueue_indirect_dma source(%dma_start3A_6 : memref<4096xf32, #tpu.memory_space<hbm>>) target(%arg8 : memref<512xf32, #tpu.memory_space<vmem>>) offsets(%arg6 : memref<512xi32, #tpu.memory_space<vmem>>) semaphore(%arg10 : memref<!tpu.dma_semaphore, #tpu.memory_space<semaphore_mem>>)
    %dma_wait3A_7 = arith.constant 0 : i32
    %dma_wait3A_8 = tpu.memref_slice %arg4[%dma_wait3A_7] : memref<4096xf32, #tpu.memory_space<hbm>> -> memref<4096xf32, #tpu.memory_space<hbm>>
    tpu.wait_indirect_dma semaphore(%arg10 : memref<!tpu.dma_semaphore, #tpu.memory_space<semaphore_mem>>) src(%dma_wait3A_8 : memref<4096xf32, #tpu.memory_space<hbm>>) dst(%arg8 : memref<512xf32, #tpu.memory_space<vmem>>)
    %get3A = arith.constant 0 : index
    %get3A_9 = tpu.vector_load %arg7[%get3A] {strides = array<i32>} : memref<512xf32, #tpu.memory_space<vmem>>, vector<16xf32>,
    %get3A_10 = vector.shape_cast %get3A_9 : vector<16xf32> to vector<16xf32>
    %abs3A = math.absf %get3A_10 : vector<16xf32>
    %mul3A_11 = arith.constant 6.000000e-01 : f32
    %mul3A_12 = vector.broadcast %mul3A_11 : f32 to vector<16xf32>
    %mul3A_13 = arith.mulf %mul3A_12, %abs3A : vector<16xf32>
    %get3A_14 = arith.constant 0 : index
    %get3A_15 = tpu.vector_load %arg8[%get3A_14] {strides = array<i32>} : memref<512xf32, #tpu.memory_space<vmem>>, vector<16xf32>,
    %get3A_16 = vector.shape_cast %get3A_15 : vector<16xf32> to vector<16xf32>
    %mul3A_17 = arith.constant 4.000000e-01 : f32
    %mul3A_18 = vector.broadcast %mul3A_17 : f32 to vector<16xf32>
    %mul3A_19 = arith.mulf %mul3A_18, %get3A_16 : vector<16xf32>
    %add3A_20 = arith.addf %mul3A_13, %mul3A_19 : vector<16xf32>
    %neg3A = arith.constant 0.000000e+00 : f32
    %neg3A_21 = vector.broadcast %neg3A : f32 to vector<16xf32>
    %neg3A_22 = arith.subf %neg3A_21, %add3A_20 : vector<16xf32>
    %exp3A = math.exp %neg3A_22 : vector<16xf32>
    %add3A_23 = arith.constant 1.000000e+00 : f32
    %add3A_24 = vector.broadcast %add3A_23 : f32 to vector<16xf32>
    %add3A_25 = arith.addf %add3A_24, %exp3A : vector<16xf32>
    %div3A = arith.constant 1.000000e+00 : f32
    %div3A_26 = vector.broadcast %div3A : f32 to vector<16xf32>
    %div3A_27 = arith.divf %div3A_26, %add3A_25 : vector<16xf32>
    %swap3A = arith.constant 0 : index
    %swap3A_28 = tpu.vector_load %arg9[%swap3A] {strides = array<i32>} : memref<512xf32, #tpu.memory_space<vmem>>, vector<16xf32>,
    %swap3A_29 = vector.shape_cast %swap3A_28 : vector<16xf32> to vector<16xf32>
    %swap3A_30 = vector.shape_cast %div3A_27 : vector<16xf32> to vector<16xf32>
    tpu.vector_store %arg9[%swap3A], %swap3A_30 {strides = array<i32>} : memref<512xf32, #tpu.memory_space<vmem>>, vector<16xf32>,
    %get3A_31 = arith.constant 16 : index
    %get3A_32 = tpu.vector_load %arg7[%get3A_31] {strides = array<i32>} : memref<512xf32, #tpu.memory_space<vmem>>, vector<16xf32>,
    %get3A_33 = vector.shape_cast %get3A_32 : vector<16xf32> to vector<16xf32>
    %abs3A_34 = math.absf %get3A_33 : vector<16xf32>
    %mul3A_35 = arith.constant 6.000000e-01 : f32
    %mul3A_36 = vector.broadcast %mul3A_35 : f32 to vector<16xf32>
    %mul3A_37 = arith.mulf %mul3A_36, %abs3A_34 : vector<16xf32>
    %get3A_38 = arith.constant 16 : index
    %get3A_39 = tpu.vector_load %arg8[%get3A_38] {strides = array<i32>} : memref<512xf32, #tpu.memory_space<vmem>>, vector<16xf32>,
    %get3A_40 = vector.shape_cast %get3A_39 : vector<16xf32> to vector<16xf32>
    %mul3A_41 = arith.constant 4.000000e-01 : f32
    %mul3A_42 = vector.broadcast %mul3A_41 : f32 to vector<16xf32>
    %mul3A_43 = arith.mulf %mul3A_42, %get3A_40 : vector<16xf32>
    %add3A_44 = arith.addf %mul3A_37, %mul3A_43 : vector<16xf32>
    %neg3A_45 = arith.constant 0.000000e+00 : f32
    %neg3A_46 = vector.broadcast %neg3A_45 : f32 to vector<16xf32>
    %neg3A_47 = arith.subf %neg3A_46, %add3A_44 : vector<16xf32>
    %exp3A_48 = math.exp %neg3A_47 : vector<16xf32>
    %add3A_49 = arith.constant 1.000000e+00 : f32
    %add3A_50 = vector.broadcast %add3A_49 : f32 to vector<16xf32>
    %add3A_51 = arith.addf %add3A_50, %exp3A_48 : vector<16xf32>
    %div3A_52 = arith.constant 1.000000e+00 : f32
    %div3A_53 = vector.broadcast %div3A_52 : f32 to vector<16xf32>
    %div3A_54 = arith.divf %div3A_53, %add3A_51 : vector<16xf32>
    %swap3A_55 = arith.constant 16 : index
    %swap3A_56 = tpu.vector_load %arg9[%swap3A_55] {strides = array<i32>} : memref<512xf32, #tpu.memory_space<vmem>>, vector<16xf32>,
    %swap3A_57 = vector.shape_cast %swap3A_56 : vector<16xf32> to vector<16xf32>
    %swap3A_58 = vector.shape_cast %div3A_54 : vector<16xf32> to vector<16xf32>
    tpu.vector_store %arg9[%swap3A_55], %swap3A_58 {strides = array<i32>} : memref<512xf32, #tpu.memory_space<vmem>>, vector<16xf32>,
    %get3A_59 = arith.constant 32 : index
    %get3A_60 = tpu.vector_load %arg7[%get3A_59] {strides = array<i32>} : memref<512xf32, #tpu.memory_space<vmem>>, vector<16xf32>,
    %get3A_61 = vector.shape_cast %get3A_60 : vector<16xf32> to vector<16xf32>
    %abs3A_62 = math.absf %get3A_61 : vector<16xf32>
    %mul3A_63 = arith.constant 6.000000e-01 : f32
    %mul3A_64 = vector.broadcast %mul3A_63 : f32 to vector<16xf32>
    %mul3A_65 = arith.mulf %mul3A_64, %abs3A_62 : vector<16xf32>
    %get3A_66 = arith.constant 32 : index
    %get3A_67 = tpu.vector_load %arg8[%get3A_66] {strides = array<i32>} : memref<512xf32, #tpu.memory_space<vmem>>, vector<16xf32>,
    %get3A_68 = vector.shape_cast %get3A_67 : vector<16xf32> to vector<16xf32>
    %mul3A_69 = arith.constant 4.000000e-01 : f32
    %mul3A_70 = vector.broadcast %mul3A_69 : f32 to vector<16xf32>
    %mul3A_71 = arith.mulf %mul3A_70, %get3A_68 : vector<16xf32>
    %add3A_72 = arith.addf %mul3A_65, %mul3A_71 : vector<16xf32>
    %neg3A_73 = arith.constant 0.000000e+00 : f32
    %neg3A_74 = vector.broadcast %neg3A_73 : f32 to vector<16xf32>
    %neg3A_75 = arith.subf %neg3A_74, %add3A_72 : vector<16xf32>
    %exp3A_76 = math.exp %neg3A_75 : vector<16xf32>
    %add3A_77 = arith.constant 1.000000e+00 : f32
    %add3A_78 = vector.broadcast %add3A_77 : f32 to vector<16xf32>
    %add3A_79 = arith.addf %add3A_78, %exp3A_76 : vector<16xf32>
    %div3A_80 = arith.constant 1.000000e+00 : f32
    %div3A_81 = vector.broadcast %div3A_80 : f32 to vector<16xf32>
    %div3A_82 = arith.divf %div3A_81, %add3A_79 : vector<16xf32>
    %swap3A_83 = arith.constant 32 : index
    %swap3A_84 = tpu.vector_load %arg9[%swap3A_83] {strides = array<i32>} : memref<512xf32, #tpu.memory_space<vmem>>, vector<16xf32>,
    %swap3A_85 = vector.shape_cast %swap3A_84 : vector<16xf32> to vector<16xf32>
    %swap3A_86 = vector.shape_cast %div3A_82 : vector<16xf32> to vector<16xf32>
    tpu.vector_store %arg9[%swap3A_83], %swap3A_86 {strides = array<i32>} : memref<512xf32, #tpu.memory_space<vmem>>, vector<16xf32>,
    %get3A_87 = arith.constant 48 : index
    %get3A_88 = tpu.vector_load %arg7[%get3A_87] {strides = array<i32>} : memref<512xf32, #tpu.memory_space<vmem>>, vector<16xf32>,
    %get3A_89 = vector.shape_cast %get3A_88 : vector<16xf32> to vector<16xf32>
    %abs3A_90 = math.absf %get3A_89 : vector<16xf32>
    %mul3A_91 = arith.constant 6.000000e-01 : f32
    %mul3A_92 = vector.broadcast %mul3A_91 : f32 to vector<16xf32>
    %mul3A_93 = arith.mulf %mul3A_92, %abs3A_90 : vector<16xf32>
    %get3A_94 = arith.constant 48 : index
    %get3A_95 = tpu.vector_load %arg8[%get3A_94] {strides = array<i32>} : memref<512xf32, #tpu.memory_space<vmem>>, vector<16xf32>,
    %get3A_96 = vector.shape_cast %get3A_95 : vector<16xf32> to vector<16xf32>
    %mul3A_97 = arith.constant 4.000000e-01 : f32
    %mul3A_98 = vector.broadcast %mul3A_97 : f32 to vector<16xf32>
    %mul3A_99 = arith.mulf %mul3A_98, %get3A_96 : vector<16xf32>
    %add3A_100 = arith.addf %mul3A_93, %mul3A_99 : vector<16xf32>
    %neg3A_101 = arith.constant 0.000000e+00 : f32
    %neg3A_102 = vector.broadcast %neg3A_101 : f32 to vector<16xf32>
    %neg3A_103 = arith.subf %neg3A_102, %add3A_100 : vector<16xf32>
    %exp3A_104 = math.exp %neg3A_103 : vector<16xf32>
    %add3A_105 = arith.constant 1.000000e+00 : f32
    %add3A_106 = vector.broadcast %add3A_105 : f32 to vector<16xf32>
    %add3A_107 = arith.addf %add3A_106, %exp3A_104 : vector<16xf32>
    %div3A_108 = arith.constant 1.000000e+00 : f32
    %div3A_109 = vector.broadcast %div3A_108 : f32 to vector<16xf32>
    %div3A_110 = arith.divf %div3A_109, %add3A_107 : vector<16xf32>
    %swap3A_111 = arith.constant 48 : index
    %swap3A_112 = tpu.vector_load %arg9[%swap3A_111] {strides = array<i32>} : memref<512xf32, #tpu.memory_space<vmem>>, vector<16xf32>,
    %swap3A_113 = vector.shape_cast %swap3A_112 : vector<16xf32> to vector<16xf32>
    %swap3A_114 = vector.shape_cast %div3A_110 : vector<16xf32> to vector<16xf32>
    tpu.vector_store %arg9[%swap3A_111], %swap3A_114 {strides = array<i32>} : memref<512xf32, #tpu.memory_space<vmem>>, vector<16xf32>,
    %get3A_115 = arith.constant 64 : index
    %get3A_116 = tpu.vector_load %arg7[%get3A_115] {strides = array<i32>} : memref<512xf32, #tpu.memory_space<vmem>>, vector<16xf32>,
    %get3A_117 = vector.shape_cast %get3A_116 : vector<16xf32> to vector<16xf32>
    %abs3A_118 = math.absf %get3A_117 : vector<16xf32>
    %mul3A_119 = arith.constant 6.000000e-01 : f32
    %mul3A_120 = vector.broadcast %mul3A_119 : f32 to vector<16xf32>
    %mul3A_121 = arith.mulf %mul3A_120, %abs3A_118 : vector<16xf32>
    %get3A_122 = arith.constant 64 : index
    %get3A_123 = tpu.vector_load %arg8[%get3A_122] {strides = array<i32>} : memref<512xf32, #tpu.memory_space<vmem>>, vector<16xf32>,
    %get3A_124 = vector.shape_cast %get3A_123 : vector<16xf32> to vector<16xf32>
    %mul3A_125 = arith.constant 4.000000e-01 : f32
    %mul3A_126 = vector.broadcast %mul3A_125 : f32 to vector<16xf32>
    %mul3A_127 = arith.mulf %mul3A_126, %get3A_124 : vector<16xf32>
    %add3A_128 = arith.addf %mul3A_121, %mul3A_127 : vector<16xf32>
    %neg3A_129 = arith.constant 0.000000e+00 : f32
    %neg3A_130 = vector.broadcast %neg3A_129 : f32 to vector<16xf32>
    %neg3A_131 = arith.subf %neg3A_130, %add3A_128 : vector<16xf32>
    %exp3A_132 = math.exp %neg3A_131 : vector<16xf32>
    %add3A_133 = arith.constant 1.000000e+00 : f32
    %add3A_134 = vector.broadcast %add3A_133 : f32 to vector<16xf32>
    %add3A_135 = arith.addf %add3A_134, %exp3A_132 : vector<16xf32>
    %div3A_136 = arith.constant 1.000000e+00 : f32
    %div3A_137 = vector.broadcast %div3A_136 : f32 to vector<16xf32>
    %div3A_138 = arith.divf %div3A_137, %add3A_135 : vector<16xf32>
    %swap3A_139 = arith.constant 64 : index
    %swap3A_140 = tpu.vector_load %arg9[%swap3A_139] {strides = array<i32>} : memref<512xf32, #tpu.memory_space<vmem>>, vector<16xf32>,
    %swap3A_141 = vector.shape_cast %swap3A_140 : vector<16xf32> to vector<16xf32>
    %swap3A_142 = vector.shape_cast %div3A_138 : vector<16xf32> to vector<16xf32>
    tpu.vector_store %arg9[%swap3A_139], %swap3A_142 {strides = array<i32>} : memref<512xf32, #tpu.memory_space<vmem>>, vector<16xf32>,
    %get3A_143 = arith.constant 80 : index
    %get3A_144 = tpu.vector_load %arg7[%get3A_143] {strides = array<i32>} : memref<512xf32, #tpu.memory_space<vmem>>, vector<16xf32>,
    %get3A_145 = vector.shape_cast %get3A_144 : vector<16xf32> to vector<16xf32>
    %abs3A_146 = math.absf %get3A_145 : vector<16xf32>
    %mul3A_147 = arith.constant 6.000000e-01 : f32
    %mul3A_148 = vector.broadcast %mul3A_147 : f32 to vector<16xf32>
    %mul3A_149 = arith.mulf %mul3A_148, %abs3A_146 : vector<16xf32>
    %get3A_150 = arith.constant 80 : index
    %get3A_151 = tpu.vector_load %arg8[%get3A_150] {strides = array<i32>} : memref<512xf32, #tpu.memory_space<vmem>>, vector<16xf32>,
    %get3A_152 = vector.shape_cast %get3A_151 : vector<16xf32> to vector<16xf32>
    %mul3A_153 = arith.constant 4.000000e-01 : f32
    %mul3A_154 = vector.broadcast %mul3A_153 : f32 to vector<16xf32>
    %mul3A_155 = arith.mulf %mul3A_154, %get3A_152 : vector<16xf32>
    %add3A_156 = arith.addf %mul3A_149, %mul3A_155 : vector<16xf32>
    %neg3A_157 = arith.constant 0.000000e+00 : f32
    %neg3A_158 = vector.broadcast %neg3A_157 : f32 to vector<16xf32>
    %neg3A_159 = arith.subf %neg3A_158, %add3A_156 : vector<16xf32>
    %exp3A_160 = math.exp %neg3A_159 : vector<16xf32>
    %add3A_161 = arith.constant 1.000000e+00 : f32
    %add3A_162 = vector.broadcast %add3A_161 : f32 to vector<16xf32>
    %add3A_163 = arith.addf %add3A_162, %exp3A_160 : vector<16xf32>
    %div3A_164 = arith.constant 1.000000e+00 : f32
    %div3A_165 = vector.broadcast %div3A_164 : f32 to vector<16xf32>
    %div3A_166 = arith.divf %div3A_165, %add3A_163 : vector<16xf32>
    %swap3A_167 = arith.constant 80 : index
    %swap3A_168 = tpu.vector_load %arg9[%swap3A_167] {strides = array<i32>} : memref<512xf32, #tpu.memory_space<vmem>>, vector<16xf32>,
    %swap3A_169 = vector.shape_cast %swap3A_168 : vector<16xf32> to vector<16xf32>
    %swap3A_170 = vector.shape_cast %div3A_166 : vector<16xf32> to vector<16xf32>
    tpu.vector_store %arg9[%swap3A_167], %swap3A_170 {strides = array<i32>} : memref<512xf32, #tpu.memory_space<vmem>>, vector<16xf32>,
    %get3A_171 = arith.constant 96 : index
    %get3A_172 = tpu.vector_load %arg7[%get3A_171] {strides = array<i32>} : memref<512xf32, #tpu.memory_space<vmem>>, vector<16xf32>,
    %get3A_173 = vector.shape_cast %get3A_172 : vector<16xf32> to vector<16xf32>
    %abs3A_174 = math.absf %get3A_173 : vector<16xf32>
    %mul3A_175 = arith.constant 6.000000e-01 : f32
    %mul3A_176 = vector.broadcast %mul3A_175 : f32 to vector<16xf32>
    %mul3A_177 = arith.mulf %mul3A_176, %abs3A_174 : vector<16xf32>
    %get3A_178 = arith.constant 96 : index
    %get3A_179 = tpu.vector_load %arg8[%get3A_178] {strides = array<i32>} : memref<512xf32, #tpu.memory_space<vmem>>, vector<16xf32>,
    %get3A_180 = vector.shape_cast %get3A_179 : vector<16xf32> to vector<16xf32>
    %mul3A_181 = arith.constant 4.000000e-01 : f32
    %mul3A_182 = vector.broadcast %mul3A_181 : f32 to vector<16xf32>
    %mul3A_183 = arith.mulf %mul3A_182, %get3A_180 : vector<16xf32>
    %add3A_184 = arith.addf %mul3A_177, %mul3A_183 : vector<16xf32>
    %neg3A_185 = arith.constant 0.000000e+00 : f32
    %neg3A_186 = vector.broadcast %neg3A_185 : f32 to vector<16xf32>
    %neg3A_187 = arith.subf %neg3A_186, %add3A_184 : vector<16xf32>
    %exp3A_188 = math.exp %neg3A_187 : vector<16xf32>
    %add3A_189 = arith.constant 1.000000e+00 : f32
    %add3A_190 = vector.broadcast %add3A_189 : f32 to vector<16xf32>
    %add3A_191 = arith.addf %add3A_190, %exp3A_188 : vector<16xf32>
    %div3A_192 = arith.constant 1.000000e+00 : f32
    %div3A_193 = vector.broadcast %div3A_192 : f32 to vector<16xf32>
    %div3A_194 = arith.divf %div3A_193, %add3A_191 : vector<16xf32>
    %swap3A_195 = arith.constant 96 : index
    %swap3A_196 = tpu.vector_load %arg9[%swap3A_195] {strides = array<i32>} : memref<512xf32, #tpu.memory_space<vmem>>, vector<16xf32>,
    %swap3A_197 = vector.shape_cast %swap3A_196 : vector<16xf32> to vector<16xf32>
    %swap3A_198 = vector.shape_cast %div3A_194 : vector<16xf32> to vector<16xf32>
    tpu.vector_store %arg9[%swap3A_195], %swap3A_198 {strides = array<i32>} : memref<512xf32, #tpu.memory_space<vmem>>, vector<16xf32>,
    %get3A_199 = arith.constant 112 : index
    %get3A_200 = tpu.vector_load %arg7[%get3A_199] {strides = array<i32>} : memref<512xf32, #tpu.memory_space<vmem>>, vector<16xf32>,
    %get3A_201 = vector.shape_cast %get3A_200 : vector<16xf32> to vector<16xf32>
    %abs3A_202 = math.absf %get3A_201 : vector<16xf32>
    %mul3A_203 = arith.constant 6.000000e-01 : f32
    %mul3A_204 = vector.broadcast %mul3A_203 : f32 to vector<16xf32>
    %mul3A_205 = arith.mulf %mul3A_204, %abs3A_202 : vector<16xf32>
    %get3A_206 = arith.constant 112 : index
    %get3A_207 = tpu.vector_load %arg8[%get3A_206] {strides = array<i32>} : memref<512xf32, #tpu.memory_space<vmem>>, vector<16xf32>,
    %get3A_208 = vector.shape_cast %get3A_207 : vector<16xf32> to vector<16xf32>
    %mul3A_209 = arith.constant 4.000000e-01 : f32
    %mul3A_210 = vector.broadcast %mul3A_209 : f32 to vector<16xf32>
    %mul3A_211 = arith.mulf %mul3A_210, %get3A_208 : vector<16xf32>
    %add3A_212 = arith.addf %mul3A_205, %mul3A_211 : vector<16xf32>
    %neg3A_213 = arith.constant 0.000000e+00 : f32
    %neg3A_214 = vector.broadcast %neg3A_213 : f32 to vector<16xf32>
    %neg3A_215 = arith.subf %neg3A_214, %add3A_212 : vector<16xf32>
    %exp3A_216 = math.exp %neg3A_215 : vector<16xf32>
    %add3A_217 = arith.constant 1.000000e+00 : f32
    %add3A_218 = vector.broadcast %add3A_217 : f32 to vector<16xf32>
    %add3A_219 = arith.addf %add3A_218, %exp3A_216 : vector<16xf32>
    %div3A_220 = arith.constant 1.000000e+00 : f32
    %div3A_221 = vector.broadcast %div3A_220 : f32 to vector<16xf32>
    %div3A_222 = arith.divf %div3A_221, %add3A_219 : vector<16xf32>
    %swap3A_223 = arith.constant 112 : index
    %swap3A_224 = tpu.vector_load %arg9[%swap3A_223] {strides = array<i32>} : memref<512xf32, #tpu.memory_space<vmem>>, vector<16xf32>,
    %swap3A_225 = vector.shape_cast %swap3A_224 : vector<16xf32> to vector<16xf32>
    %swap3A_226 = vector.shape_cast %div3A_222 : vector<16xf32> to vector<16xf32>
    tpu.vector_store %arg9[%swap3A_223], %swap3A_226 {strides = array<i32>} : memref<512xf32, #tpu.memory_space<vmem>>, vector<16xf32>,
    %get3A_227 = arith.constant 128 : index
    %get3A_228 = tpu.vector_load %arg7[%get3A_227] {strides = array<i32>} : memref<512xf32, #tpu.memory_space<vmem>>, vector<16xf32>,
    %get3A_229 = vector.shape_cast %get3A_228 : vector<16xf32> to vector<16xf32>
    %abs3A_230 = math.absf %get3A_229 : vector<16xf32>
    %mul3A_231 = arith.constant 6.000000e-01 : f32
    %mul3A_232 = vector.broadcast %mul3A_231 : f32 to vector<16xf32>
    %mul3A_233 = arith.mulf %mul3A_232, %abs3A_230 : vector<16xf32>
    %get3A_234 = arith.constant 128 : index
    %get3A_235 = tpu.vector_load %arg8[%get3A_234] {strides = array<i32>} : memref<512xf32, #tpu.memory_space<vmem>>, vector<16xf32>,
    %get3A_236 = vector.shape_cast %get3A_235 : vector<16xf32> to vector<16xf32>
    %mul3A_237 = arith.constant 4.000000e-01 : f32
    %mul3A_238 = vector.broadcast %mul3A_237 : f32 to vector<16xf32>
    %mul3A_239 = arith.mulf %mul3A_238, %get3A_236 : vector<16xf32>
    %add3A_240 = arith.addf %mul3A_233, %mul3A_239 : vector<16xf32>
    %neg3A_241 = arith.constant 0.000000e+00 : f32
    %neg3A_242 = vector.broadcast %neg3A_241 : f32 to vector<16xf32>
    %neg3A_243 = arith.subf %neg3A_242, %add3A_240 : vector<16xf32>
    %exp3A_244 = math.exp %neg3A_243 : vector<16xf32>
    %add3A_245 = arith.constant 1.000000e+00 : f32
    %add3A_246 = vector.broadcast %add3A_245 : f32 to vector<16xf32>
    %add3A_247 = arith.addf %add3A_246, %exp3A_244 : vector<16xf32>
    %div3A_248 = arith.constant 1.000000e+00 : f32
    %div3A_249 = vector.broadcast %div3A_248 : f32 to vector<16xf32>
    %div3A_250 = arith.divf %div3A_249, %add3A_247 : vector<16xf32>
    %swap3A_251 = arith.constant 128 : index
    %swap3A_252 = tpu.vector_load %arg9[%swap3A_251] {strides = array<i32>} : memref<512xf32, #tpu.memory_space<vmem>>, vector<16xf32>,
    %swap3A_253 = vector.shape_cast %swap3A_252 : vector<16xf32> to vector<16xf32>
    %swap3A_254 = vector.shape_cast %div3A_250 : vector<16xf32> to vector<16xf32>
    tpu.vector_store %arg9[%swap3A_251], %swap3A_254 {strides = array<i32>} : memref<512xf32, #tpu.memory_space<vmem>>, vector<16xf32>,
    %get3A_255 = arith.constant 144 : index
    %get3A_256 = tpu.vector_load %arg7[%get3A_255] {strides = array<i32>} : memref<512xf32, #tpu.memory_space<vmem>>, vector<16xf32>,
    %get3A_257 = vector.shape_cast %get3A_256 : vector<16xf32> to vector<16xf32>
    %abs3A_258 = math.absf %get3A_257 : vector<16xf32>
    %mul3A_259 = arith.constant 6.000000e-01 : f32
    %mul3A_260 = vector.broadcast %mul3A_259 : f32 to vector<16xf32>
    %mul3A_261 = arith.mulf %mul3A_260, %abs3A_258 : vector<16xf32>
    %get3A_262 = arith.constant 144 : index
    %get3A_263 = tpu.vector_load %arg8[%get3A_262] {strides = array<i32>} : memref<512xf32, #tpu.memory_space<vmem>>, vector<16xf32>,
    %get3A_264 = vector.shape_cast %get3A_263 : vector<16xf32> to vector<16xf32>
    %mul3A_265 = arith.constant 4.000000e-01 : f32
    %mul3A_266 = vector.broadcast %mul3A_265 : f32 to vector<16xf32>
    %mul3A_267 = arith.mulf %mul3A_266, %get3A_264 : vector<16xf32>
    %add3A_268 = arith.addf %mul3A_261, %mul3A_267 : vector<16xf32>
    %neg3A_269 = arith.constant 0.000000e+00 : f32
    %neg3A_270 = vector.broadcast %neg3A_269 : f32 to vector<16xf32>
    %neg3A_271 = arith.subf %neg3A_270, %add3A_268 : vector<16xf32>
    %exp3A_272 = math.exp %neg3A_271 : vector<16xf32>
    %add3A_273 = arith.constant 1.000000e+00 : f32
    %add3A_274 = vector.broadcast %add3A_273 : f32 to vector<16xf32>
    %add3A_275 = arith.addf %add3A_274, %exp3A_272 : vector<16xf32>
    %div3A_276 = arith.constant 1.000000e+00 : f32
    %div3A_277 = vector.broadcast %div3A_276 : f32 to vector<16xf32>
    %div3A_278 = arith.divf %div3A_277, %add3A_275 : vector<16xf32>
    %swap3A_279 = arith.constant 144 : index
    %swap3A_280 = tpu.vector_load %arg9[%swap3A_279] {strides = array<i32>} : memref<512xf32, #tpu.memory_space<vmem>>, vector<16xf32>,
    %swap3A_281 = vector.shape_cast %swap3A_280 : vector<16xf32> to vector<16xf32>
    %swap3A_282 = vector.shape_cast %div3A_278 : vector<16xf32> to vector<16xf32>
    tpu.vector_store %arg9[%swap3A_279], %swap3A_282 {strides = array<i32>} : memref<512xf32, #tpu.memory_space<vmem>>, vector<16xf32>,
    %get3A_283 = arith.constant 160 : index
    %get3A_284 = tpu.vector_load %arg7[%get3A_283] {strides = array<i32>} : memref<512xf32, #tpu.memory_space<vmem>>, vector<16xf32>,
    %get3A_285 = vector.shape_cast %get3A_284 : vector<16xf32> to vector<16xf32>
    %abs3A_286 = math.absf %get3A_285 : vector<16xf32>
    %mul3A_287 = arith.constant 6.000000e-01 : f32
    %mul3A_288 = vector.broadcast %mul3A_287 : f32 to vector<16xf32>
    %mul3A_289 = arith.mulf %mul3A_288, %abs3A_286 : vector<16xf32>
    %get3A_290 = arith.constant 160 : index
    %get3A_291 = tpu.vector_load %arg8[%get3A_290] {strides = array<i32>} : memref<512xf32, #tpu.memory_space<vmem>>, vector<16xf32>,
    %get3A_292 = vector.shape_cast %get3A_291 : vector<16xf32> to vector<16xf32>
    %mul3A_293 = arith.constant 4.000000e-01 : f32
    %mul3A_294 = vector.broadcast %mul3A_293 : f32 to vector<16xf32>
    %mul3A_295 = arith.mulf %mul3A_294, %get3A_292 : vector<16xf32>
    %add3A_296 = arith.addf %mul3A_289, %mul3A_295 : vector<16xf32>
    %neg3A_297 = arith.constant 0.000000e+00 : f32
    %neg3A_298 = vector.broadcast %neg3A_297 : f32 to vector<16xf32>
    %neg3A_299 = arith.subf %neg3A_298, %add3A_296 : vector<16xf32>
    %exp3A_300 = math.exp %neg3A_299 : vector<16xf32>
    %add3A_301 = arith.constant 1.000000e+00 : f32
    %add3A_302 = vector.broadcast %add3A_301 : f32 to vector<16xf32>
    %add3A_303 = arith.addf %add3A_302, %exp3A_300 : vector<16xf32>
    %div3A_304 = arith.constant 1.000000e+00 : f32
    %div3A_305 = vector.broadcast %div3A_304 : f32 to vector<16xf32>
    %div3A_306 = arith.divf %div3A_305, %add3A_303 : vector<16xf32>
    %swap3A_307 = arith.constant 160 : index
    %swap3A_308 = tpu.vector_load %arg9[%swap3A_307] {strides = array<i32>} : memref<512xf32, #tpu.memory_space<vmem>>, vector<16xf32>,
    %swap3A_309 = vector.shape_cast %swap3A_308 : vector<16xf32> to vector<16xf32>
    %swap3A_310 = vector.shape_cast %div3A_306 : vector<16xf32> to vector<16xf32>
    tpu.vector_store %arg9[%swap3A_307], %swap3A_310 {strides = array<i32>} : memref<512xf32, #tpu.memory_space<vmem>>, vector<16xf32>,
    %get3A_311 = arith.constant 176 : index
    %get3A_312 = tpu.vector_load %arg7[%get3A_311] {strides = array<i32>} : memref<512xf32, #tpu.memory_space<vmem>>, vector<16xf32>,
    %get3A_313 = vector.shape_cast %get3A_312 : vector<16xf32> to vector<16xf32>
    %abs3A_314 = math.absf %get3A_313 : vector<16xf32>
    %mul3A_315 = arith.constant 6.000000e-01 : f32
    %mul3A_316 = vector.broadcast %mul3A_315 : f32 to vector<16xf32>
    %mul3A_317 = arith.mulf %mul3A_316, %abs3A_314 : vector<16xf32>
    %get3A_318 = arith.constant 176 : index
    %get3A_319 = tpu.vector_load %arg8[%get3A_318] {strides = array<i32>} : memref<512xf32, #tpu.memory_space<vmem>>, vector<16xf32>,
    %get3A_320 = vector.shape_cast %get3A_319 : vector<16xf32> to vector<16xf32>
    %mul3A_321 = arith.constant 4.000000e-01 : f32
    %mul3A_322 = vector.broadcast %mul3A_321 : f32 to vector<16xf32>
    %mul3A_323 = arith.mulf %mul3A_322, %get3A_320 : vector<16xf32>
    %add3A_324 = arith.addf %mul3A_317, %mul3A_323 : vector<16xf32>
    %neg3A_325 = arith.constant 0.000000e+00 : f32
    %neg3A_326 = vector.broadcast %neg3A_325 : f32 to vector<16xf32>
    %neg3A_327 = arith.subf %neg3A_326, %add3A_324 : vector<16xf32>
    %exp3A_328 = math.exp %neg3A_327 : vector<16xf32>
    %add3A_329 = arith.constant 1.000000e+00 : f32
    %add3A_330 = vector.broadcast %add3A_329 : f32 to vector<16xf32>
    %add3A_331 = arith.addf %add3A_330, %exp3A_328 : vector<16xf32>
    %div3A_332 = arith.constant 1.000000e+00 : f32
    %div3A_333 = vector.broadcast %div3A_332 : f32 to vector<16xf32>
    %div3A_334 = arith.divf %div3A_333, %add3A_331 : vector<16xf32>
    %swap3A_335 = arith.constant 176 : index
    %swap3A_336 = tpu.vector_load %arg9[%swap3A_335] {strides = array<i32>} : memref<512xf32, #tpu.memory_space<vmem>>, vector<16xf32>,
    %swap3A_337 = vector.shape_cast %swap3A_336 : vector<16xf32> to vector<16xf32>
    %swap3A_338 = vector.shape_cast %div3A_334 : vector<16xf32> to vector<16xf32>
    tpu.vector_store %arg9[%swap3A_335], %swap3A_338 {strides = array<i32>} : memref<512xf32, #tpu.memory_space<vmem>>, vector<16xf32>,
    %get3A_339 = arith.constant 192 : index
    %get3A_340 = tpu.vector_load %arg7[%get3A_339] {strides = array<i32>} : memref<512xf32, #tpu.memory_space<vmem>>, vector<16xf32>,
    %get3A_341 = vector.shape_cast %get3A_340 : vector<16xf32> to vector<16xf32>
    %abs3A_342 = math.absf %get3A_341 : vector<16xf32>
    %mul3A_343 = arith.constant 6.000000e-01 : f32
    %mul3A_344 = vector.broadcast %mul3A_343 : f32 to vector<16xf32>
    %mul3A_345 = arith.mulf %mul3A_344, %abs3A_342 : vector<16xf32>
    %get3A_346 = arith.constant 192 : index
    %get3A_347 = tpu.vector_load %arg8[%get3A_346] {strides = array<i32>} : memref<512xf32, #tpu.memory_space<vmem>>, vector<16xf32>,
    %get3A_348 = vector.shape_cast %get3A_347 : vector<16xf32> to vector<16xf32>
    %mul3A_349 = arith.constant 4.000000e-01 : f32
    %mul3A_350 = vector.broadcast %mul3A_349 : f32 to vector<16xf32>
    %mul3A_351 = arith.mulf %mul3A_350, %get3A_348 : vector<16xf32>
    %add3A_352 = arith.addf %mul3A_345, %mul3A_351 : vector<16xf32>
    %neg3A_353 = arith.constant 0.000000e+00 : f32
    %neg3A_354 = vector.broadcast %neg3A_353 : f32 to vector<16xf32>
    %neg3A_355 = arith.subf %neg3A_354, %add3A_352 : vector<16xf32>
    %exp3A_356 = math.exp %neg3A_355 : vector<16xf32>
    %add3A_357 = arith.constant 1.000000e+00 : f32
    %add3A_358 = vector.broadcast %add3A_357 : f32 to vector<16xf32>
    %add3A_359 = arith.addf %add3A_358, %exp3A_356 : vector<16xf32>
    %div3A_360 = arith.constant 1.000000e+00 : f32
    %div3A_361 = vector.broadcast %div3A_360 : f32 to vector<16xf32>
    %div3A_362 = arith.divf %div3A_361, %add3A_359 : vector<16xf32>
    %swap3A_363 = arith.constant 192 : index
    %swap3A_364 = tpu.vector_load %arg9[%swap3A_363] {strides = array<i32>} : memref<512xf32, #tpu.memory_space<vmem>>, vector<16xf32>,
    %swap3A_365 = vector.shape_cast %swap3A_364 : vector<16xf32> to vector<16xf32>
    %swap3A_366 = vector.shape_cast %div3A_362 : vector<16xf32> to vector<16xf32>
    tpu.vector_store %arg9[%swap3A_363], %swap3A_366 {strides = array<i32>} : memref<512xf32, #tpu.memory_space<vmem>>, vector<16xf32>,
    %get3A_367 = arith.constant 208 : index
    %get3A_368 = tpu.vector_load %arg7[%get3A_367] {strides = array<i32>} : memref<512xf32, #tpu.memory_space<vmem>>, vector<16xf32>,
    %get3A_369 = vector.shape_cast %get3A_368 : vector<16xf32> to vector<16xf32>
    %abs3A_370 = math.absf %get3A_369 : vector<16xf32>
    %mul3A_371 = arith.constant 6.000000e-01 : f32
    %mul3A_372 = vector.broadcast %mul3A_371 : f32 to vector<16xf32>
    %mul3A_373 = arith.mulf %mul3A_372, %abs3A_370 : vector<16xf32>
    %get3A_374 = arith.constant 208 : index
    %get3A_375 = tpu.vector_load %arg8[%get3A_374] {strides = array<i32>} : memref<512xf32, #tpu.memory_space<vmem>>, vector<16xf32>,
    %get3A_376 = vector.shape_cast %get3A_375 : vector<16xf32> to vector<16xf32>
    %mul3A_377 = arith.constant 4.000000e-01 : f32
    %mul3A_378 = vector.broadcast %mul3A_377 : f32 to vector<16xf32>
    %mul3A_379 = arith.mulf %mul3A_378, %get3A_376 : vector<16xf32>
    %add3A_380 = arith.addf %mul3A_373, %mul3A_379 : vector<16xf32>
    %neg3A_381 = arith.constant 0.000000e+00 : f32
    %neg3A_382 = vector.broadcast %neg3A_381 : f32 to vector<16xf32>
    %neg3A_383 = arith.subf %neg3A_382, %add3A_380 : vector<16xf32>
    %exp3A_384 = math.exp %neg3A_383 : vector<16xf32>
    %add3A_385 = arith.constant 1.000000e+00 : f32
    %add3A_386 = vector.broadcast %add3A_385 : f32 to vector<16xf32>
    %add3A_387 = arith.addf %add3A_386, %exp3A_384 : vector<16xf32>
    %div3A_388 = arith.constant 1.000000e+00 : f32
    %div3A_389 = vector.broadcast %div3A_388 : f32 to vector<16xf32>
    %div3A_390 = arith.divf %div3A_389, %add3A_387 : vector<16xf32>
    %swap3A_391 = arith.constant 208 : index
    %swap3A_392 = tpu.vector_load %arg9[%swap3A_391] {strides = array<i32>} : memref<512xf32, #tpu.memory_space<vmem>>, vector<16xf32>,
    %swap3A_393 = vector.shape_cast %swap3A_392 : vector<16xf32> to vector<16xf32>
    %swap3A_394 = vector.shape_cast %div3A_390 : vector<16xf32> to vector<16xf32>
    tpu.vector_store %arg9[%swap3A_391], %swap3A_394 {strides = array<i32>} : memref<512xf32, #tpu.memory_space<vmem>>, vector<16xf32>,
    %get3A_395 = arith.constant 224 : index
    %get3A_396 = tpu.vector_load %arg7[%get3A_395] {strides = array<i32>} : memref<512xf32, #tpu.memory_space<vmem>>, vector<16xf32>,
    %get3A_397 = vector.shape_cast %get3A_396 : vector<16xf32> to vector<16xf32>
    %abs3A_398 = math.absf %get3A_397 : vector<16xf32>
    %mul3A_399 = arith.constant 6.000000e-01 : f32
    %mul3A_400 = vector.broadcast %mul3A_399 : f32 to vector<16xf32>
    %mul3A_401 = arith.mulf %mul3A_400, %abs3A_398 : vector<16xf32>
    %get3A_402 = arith.constant 224 : index
    %get3A_403 = tpu.vector_load %arg8[%get3A_402] {strides = array<i32>} : memref<512xf32, #tpu.memory_space<vmem>>, vector<16xf32>,
    %get3A_404 = vector.shape_cast %get3A_403 : vector<16xf32> to vector<16xf32>
    %mul3A_405 = arith.constant 4.000000e-01 : f32
    %mul3A_406 = vector.broadcast %mul3A_405 : f32 to vector<16xf32>
    %mul3A_407 = arith.mulf %mul3A_406, %get3A_404 : vector<16xf32>
    %add3A_408 = arith.addf %mul3A_401, %mul3A_407 : vector<16xf32>
    %neg3A_409 = arith.constant 0.000000e+00 : f32
    %neg3A_410 = vector.broadcast %neg3A_409 : f32 to vector<16xf32>
    %neg3A_411 = arith.subf %neg3A_410, %add3A_408 : vector<16xf32>
    %exp3A_412 = math.exp %neg3A_411 : vector<16xf32>
    %add3A_413 = arith.constant 1.000000e+00 : f32
    %add3A_414 = vector.broadcast %add3A_413 : f32 to vector<16xf32>
    %add3A_415 = arith.addf %add3A_414, %exp3A_412 : vector<16xf32>
    %div3A_416 = arith.constant 1.000000e+00 : f32
    %div3A_417 = vector.broadcast %div3A_416 : f32 to vector<16xf32>
    %div3A_418 = arith.divf %div3A_417, %add3A_415 : vector<16xf32>
    %swap3A_419 = arith.constant 224 : index
    %swap3A_420 = tpu.vector_load %arg9[%swap3A_419] {strides = array<i32>} : memref<512xf32, #tpu.memory_space<vmem>>, vector<16xf32>,
    %swap3A_421 = vector.shape_cast %swap3A_420 : vector<16xf32> to vector<16xf32>
    %swap3A_422 = vector.shape_cast %div3A_418 : vector<16xf32> to vector<16xf32>
    tpu.vector_store %arg9[%swap3A_419], %swap3A_422 {strides = array<i32>} : memref<512xf32, #tpu.memory_space<vmem>>, vector<16xf32>,
    %get3A_423 = arith.constant 240 : index
    %get3A_424 = tpu.vector_load %arg7[%get3A_423] {strides = array<i32>} : memref<512xf32, #tpu.memory_space<vmem>>, vector<16xf32>,
    %get3A_425 = vector.shape_cast %get3A_424 : vector<16xf32> to vector<16xf32>
    %abs3A_426 = math.absf %get3A_425 : vector<16xf32>
    %mul3A_427 = arith.constant 6.000000e-01 : f32
    %mul3A_428 = vector.broadcast %mul3A_427 : f32 to vector<16xf32>
    %mul3A_429 = arith.mulf %mul3A_428, %abs3A_426 : vector<16xf32>
    %get3A_430 = arith.constant 240 : index
    %get3A_431 = tpu.vector_load %arg8[%get3A_430] {strides = array<i32>} : memref<512xf32, #tpu.memory_space<vmem>>, vector<16xf32>,
    %get3A_432 = vector.shape_cast %get3A_431 : vector<16xf32> to vector<16xf32>
    %mul3A_433 = arith.constant 4.000000e-01 : f32
    %mul3A_434 = vector.broadcast %mul3A_433 : f32 to vector<16xf32>
    %mul3A_435 = arith.mulf %mul3A_434, %get3A_432 : vector<16xf32>
    %add3A_436 = arith.addf %mul3A_429, %mul3A_435 : vector<16xf32>
    %neg3A_437 = arith.constant 0.000000e+00 : f32
    %neg3A_438 = vector.broadcast %neg3A_437 : f32 to vector<16xf32>
    %neg3A_439 = arith.subf %neg3A_438, %add3A_436 : vector<16xf32>
    %exp3A_440 = math.exp %neg3A_439 : vector<16xf32>
    %add3A_441 = arith.constant 1.000000e+00 : f32
    %add3A_442 = vector.broadcast %add3A_441 : f32 to vector<16xf32>
    %add3A_443 = arith.addf %add3A_442, %exp3A_440 : vector<16xf32>
    %div3A_444 = arith.constant 1.000000e+00 : f32
    %div3A_445 = vector.broadcast %div3A_444 : f32 to vector<16xf32>
    %div3A_446 = arith.divf %div3A_445, %add3A_443 : vector<16xf32>
    %swap3A_447 = arith.constant 240 : index
    %swap3A_448 = tpu.vector_load %arg9[%swap3A_447] {strides = array<i32>} : memref<512xf32, #tpu.memory_space<vmem>>, vector<16xf32>,
    %swap3A_449 = vector.shape_cast %swap3A_448 : vector<16xf32> to vector<16xf32>
    %swap3A_450 = vector.shape_cast %div3A_446 : vector<16xf32> to vector<16xf32>
    tpu.vector_store %arg9[%swap3A_447], %swap3A_450 {strides = array<i32>} : memref<512xf32, #tpu.memory_space<vmem>>, vector<16xf32>,
    %get3A_451 = arith.constant 256 : index
    %get3A_452 = tpu.vector_load %arg7[%get3A_451] {strides = array<i32>} : memref<512xf32, #tpu.memory_space<vmem>>, vector<16xf32>,
    %get3A_453 = vector.shape_cast %get3A_452 : vector<16xf32> to vector<16xf32>
    %abs3A_454 = math.absf %get3A_453 : vector<16xf32>
    %mul3A_455 = arith.constant 6.000000e-01 : f32
    %mul3A_456 = vector.broadcast %mul3A_455 : f32 to vector<16xf32>
    %mul3A_457 = arith.mulf %mul3A_456, %abs3A_454 : vector<16xf32>
    %get3A_458 = arith.constant 256 : index
    %get3A_459 = tpu.vector_load %arg8[%get3A_458] {strides = array<i32>} : memref<512xf32, #tpu.memory_space<vmem>>, vector<16xf32>,
    %get3A_460 = vector.shape_cast %get3A_459 : vector<16xf32> to vector<16xf32>
    %mul3A_461 = arith.constant 4.000000e-01 : f32
    %mul3A_462 = vector.broadcast %mul3A_461 : f32 to vector<16xf32>
    %mul3A_463 = arith.mulf %mul3A_462, %get3A_460 : vector<16xf32>
    %add3A_464 = arith.addf %mul3A_457, %mul3A_463 : vector<16xf32>
    %neg3A_465 = arith.constant 0.000000e+00 : f32
    %neg3A_466 = vector.broadcast %neg3A_465 : f32 to vector<16xf32>
    %neg3A_467 = arith.subf %neg3A_466, %add3A_464 : vector<16xf32>
    %exp3A_468 = math.exp %neg3A_467 : vector<16xf32>
    %add3A_469 = arith.constant 1.000000e+00 : f32
    %add3A_470 = vector.broadcast %add3A_469 : f32 to vector<16xf32>
    %add3A_471 = arith.addf %add3A_470, %exp3A_468 : vector<16xf32>
    %div3A_472 = arith.constant 1.000000e+00 : f32
    %div3A_473 = vector.broadcast %div3A_472 : f32 to vector<16xf32>
    %div3A_474 = arith.divf %div3A_473, %add3A_471 : vector<16xf32>
    %swap3A_475 = arith.constant 256 : index
    %swap3A_476 = tpu.vector_load %arg9[%swap3A_475] {strides = array<i32>} : memref<512xf32, #tpu.memory_space<vmem>>, vector<16xf32>,
    %swap3A_477 = vector.shape_cast %swap3A_476 : vector<16xf32> to vector<16xf32>
    %swap3A_478 = vector.shape_cast %div3A_474 : vector<16xf32> to vector<16xf32>
    tpu.vector_store %arg9[%swap3A_475], %swap3A_478 {strides = array<i32>} : memref<512xf32, #tpu.memory_space<vmem>>, vector<16xf32>,
    %get3A_479 = arith.constant 272 : index
    %get3A_480 = tpu.vector_load %arg7[%get3A_479] {strides = array<i32>} : memref<512xf32, #tpu.memory_space<vmem>>, vector<16xf32>,
    %get3A_481 = vector.shape_cast %get3A_480 : vector<16xf32> to vector<16xf32>
    %abs3A_482 = math.absf %get3A_481 : vector<16xf32>
    %mul3A_483 = arith.constant 6.000000e-01 : f32
    %mul3A_484 = vector.broadcast %mul3A_483 : f32 to vector<16xf32>
    %mul3A_485 = arith.mulf %mul3A_484, %abs3A_482 : vector<16xf32>
    %get3A_486 = arith.constant 272 : index
    %get3A_487 = tpu.vector_load %arg8[%get3A_486] {strides = array<i32>} : memref<512xf32, #tpu.memory_space<vmem>>, vector<16xf32>,
    %get3A_488 = vector.shape_cast %get3A_487 : vector<16xf32> to vector<16xf32>
    %mul3A_489 = arith.constant 4.000000e-01 : f32
    %mul3A_490 = vector.broadcast %mul3A_489 : f32 to vector<16xf32>
    %mul3A_491 = arith.mulf %mul3A_490, %get3A_488 : vector<16xf32>
    %add3A_492 = arith.addf %mul3A_485, %mul3A_491 : vector<16xf32>
    %neg3A_493 = arith.constant 0.000000e+00 : f32
    %neg3A_494 = vector.broadcast %neg3A_493 : f32 to vector<16xf32>
    %neg3A_495 = arith.subf %neg3A_494, %add3A_492 : vector<16xf32>
    %exp3A_496 = math.exp %neg3A_495 : vector<16xf32>
    %add3A_497 = arith.constant 1.000000e+00 : f32
    %add3A_498 = vector.broadcast %add3A_497 : f32 to vector<16xf32>
    %add3A_499 = arith.addf %add3A_498, %exp3A_496 : vector<16xf32>
    %div3A_500 = arith.constant 1.000000e+00 : f32
    %div3A_501 = vector.broadcast %div3A_500 : f32 to vector<16xf32>
    %div3A_502 = arith.divf %div3A_501, %add3A_499 : vector<16xf32>
    %swap3A_503 = arith.constant 272 : index
    %swap3A_504 = tpu.vector_load %arg9[%swap3A_503] {strides = array<i32>} : memref<512xf32, #tpu.memory_space<vmem>>, vector<16xf32>,
    %swap3A_505 = vector.shape_cast %swap3A_504 : vector<16xf32> to vector<16xf32>
    %swap3A_506 = vector.shape_cast %div3A_502 : vector<16xf32> to vector<16xf32>
    tpu.vector_store %arg9[%swap3A_503], %swap3A_506 {strides = array<i32>} : memref<512xf32, #tpu.memory_space<vmem>>, vector<16xf32>,
    %get3A_507 = arith.constant 288 : index
    %get3A_508 = tpu.vector_load %arg7[%get3A_507] {strides = array<i32>} : memref<512xf32, #tpu.memory_space<vmem>>, vector<16xf32>,
    %get3A_509 = vector.shape_cast %get3A_508 : vector<16xf32> to vector<16xf32>
    %abs3A_510 = math.absf %get3A_509 : vector<16xf32>
    %mul3A_511 = arith.constant 6.000000e-01 : f32
    %mul3A_512 = vector.broadcast %mul3A_511 : f32 to vector<16xf32>
    %mul3A_513 = arith.mulf %mul3A_512, %abs3A_510 : vector<16xf32>
    %get3A_514 = arith.constant 288 : index
    %get3A_515 = tpu.vector_load %arg8[%get3A_514] {strides = array<i32>} : memref<512xf32, #tpu.memory_space<vmem>>, vector<16xf32>,
    %get3A_516 = vector.shape_cast %get3A_515 : vector<16xf32> to vector<16xf32>
    %mul3A_517 = arith.constant 4.000000e-01 : f32
    %mul3A_518 = vector.broadcast %mul3A_517 : f32 to vector<16xf32>
    %mul3A_519 = arith.mulf %mul3A_518, %get3A_516 : vector<16xf32>
    %add3A_520 = arith.addf %mul3A_513, %mul3A_519 : vector<16xf32>
    %neg3A_521 = arith.constant 0.000000e+00 : f32
    %neg3A_522 = vector.broadcast %neg3A_521 : f32 to vector<16xf32>
    %neg3A_523 = arith.subf %neg3A_522, %add3A_520 : vector<16xf32>
    %exp3A_524 = math.exp %neg3A_523 : vector<16xf32>
    %add3A_525 = arith.constant 1.000000e+00 : f32
    %add3A_526 = vector.broadcast %add3A_525 : f32 to vector<16xf32>
    %add3A_527 = arith.addf %add3A_526, %exp3A_524 : vector<16xf32>
    %div3A_528 = arith.constant 1.000000e+00 : f32
    %div3A_529 = vector.broadcast %div3A_528 : f32 to vector<16xf32>
    %div3A_530 = arith.divf %div3A_529, %add3A_527 : vector<16xf32>
    %swap3A_531 = arith.constant 288 : index
    %swap3A_532 = tpu.vector_load %arg9[%swap3A_531] {strides = array<i32>} : memref<512xf32, #tpu.memory_space<vmem>>, vector<16xf32>,
    %swap3A_533 = vector.shape_cast %swap3A_532 : vector<16xf32> to vector<16xf32>
    %swap3A_534 = vector.shape_cast %div3A_530 : vector<16xf32> to vector<16xf32>
    tpu.vector_store %arg9[%swap3A_531], %swap3A_534 {strides = array<i32>} : memref<512xf32, #tpu.memory_space<vmem>>, vector<16xf32>,
    %get3A_535 = arith.constant 304 : index
    %get3A_536 = tpu.vector_load %arg7[%get3A_535] {strides = array<i32>} : memref<512xf32, #tpu.memory_space<vmem>>, vector<16xf32>,
    %get3A_537 = vector.shape_cast %get3A_536 : vector<16xf32> to vector<16xf32>
    %abs3A_538 = math.absf %get3A_537 : vector<16xf32>
    %mul3A_539 = arith.constant 6.000000e-01 : f32
    %mul3A_540 = vector.broadcast %mul3A_539 : f32 to vector<16xf32>
    %mul3A_541 = arith.mulf %mul3A_540, %abs3A_538 : vector<16xf32>
    %get3A_542 = arith.constant 304 : index
    %get3A_543 = tpu.vector_load %arg8[%get3A_542] {strides = array<i32>} : memref<512xf32, #tpu.memory_space<vmem>>, vector<16xf32>,
    %get3A_544 = vector.shape_cast %get3A_543 : vector<16xf32> to vector<16xf32>
    %mul3A_545 = arith.constant 4.000000e-01 : f32
    %mul3A_546 = vector.broadcast %mul3A_545 : f32 to vector<16xf32>
    %mul3A_547 = arith.mulf %mul3A_546, %get3A_544 : vector<16xf32>
    %add3A_548 = arith.addf %mul3A_541, %mul3A_547 : vector<16xf32>
    %neg3A_549 = arith.constant 0.000000e+00 : f32
    %neg3A_550 = vector.broadcast %neg3A_549 : f32 to vector<16xf32>
    %neg3A_551 = arith.subf %neg3A_550, %add3A_548 : vector<16xf32>
    %exp3A_552 = math.exp %neg3A_551 : vector<16xf32>
    %add3A_553 = arith.constant 1.000000e+00 : f32
    %add3A_554 = vector.broadcast %add3A_553 : f32 to vector<16xf32>
    %add3A_555 = arith.addf %add3A_554, %exp3A_552 : vector<16xf32>
    %div3A_556 = arith.constant 1.000000e+00 : f32
    %div3A_557 = vector.broadcast %div3A_556 : f32 to vector<16xf32>
    %div3A_558 = arith.divf %div3A_557, %add3A_555 : vector<16xf32>
    %swap3A_559 = arith.constant 304 : index
    %swap3A_560 = tpu.vector_load %arg9[%swap3A_559] {strides = array<i32>} : memref<512xf32, #tpu.memory_space<vmem>>, vector<16xf32>,
    %swap3A_561 = vector.shape_cast %swap3A_560 : vector<16xf32> to vector<16xf32>
    %swap3A_562 = vector.shape_cast %div3A_558 : vector<16xf32> to vector<16xf32>
    tpu.vector_store %arg9[%swap3A_559], %swap3A_562 {strides = array<i32>} : memref<512xf32, #tpu.memory_space<vmem>>, vector<16xf32>,
    %get3A_563 = arith.constant 320 : index
    %get3A_564 = tpu.vector_load %arg7[%get3A_563] {strides = array<i32>} : memref<512xf32, #tpu.memory_space<vmem>>, vector<16xf32>,
    %get3A_565 = vector.shape_cast %get3A_564 : vector<16xf32> to vector<16xf32>
    %abs3A_566 = math.absf %get3A_565 : vector<16xf32>
    %mul3A_567 = arith.constant 6.000000e-01 : f32
    %mul3A_568 = vector.broadcast %mul3A_567 : f32 to vector<16xf32>
    %mul3A_569 = arith.mulf %mul3A_568, %abs3A_566 : vector<16xf32>
    %get3A_570 = arith.constant 320 : index
    %get3A_571 = tpu.vector_load %arg8[%get3A_570] {strides = array<i32>} : memref<512xf32, #tpu.memory_space<vmem>>, vector<16xf32>,
    %get3A_572 = vector.shape_cast %get3A_571 : vector<16xf32> to vector<16xf32>
    %mul3A_573 = arith.constant 4.000000e-01 : f32
    %mul3A_574 = vector.broadcast %mul3A_573 : f32 to vector<16xf32>
    %mul3A_575 = arith.mulf %mul3A_574, %get3A_572 : vector<16xf32>
    %add3A_576 = arith.addf %mul3A_569, %mul3A_575 : vector<16xf32>
    %neg3A_577 = arith.constant 0.000000e+00 : f32
    %neg3A_578 = vector.broadcast %neg3A_577 : f32 to vector<16xf32>
    %neg3A_579 = arith.subf %neg3A_578, %add3A_576 : vector<16xf32>
    %exp3A_580 = math.exp %neg3A_579 : vector<16xf32>
    %add3A_581 = arith.constant 1.000000e+00 : f32
    %add3A_582 = vector.broadcast %add3A_581 : f32 to vector<16xf32>
    %add3A_583 = arith.addf %add3A_582, %exp3A_580 : vector<16xf32>
    %div3A_584 = arith.constant 1.000000e+00 : f32
    %div3A_585 = vector.broadcast %div3A_584 : f32 to vector<16xf32>
    %div3A_586 = arith.divf %div3A_585, %add3A_583 : vector<16xf32>
    %swap3A_587 = arith.constant 320 : index
    %swap3A_588 = tpu.vector_load %arg9[%swap3A_587] {strides = array<i32>} : memref<512xf32, #tpu.memory_space<vmem>>, vector<16xf32>,
    %swap3A_589 = vector.shape_cast %swap3A_588 : vector<16xf32> to vector<16xf32>
    %swap3A_590 = vector.shape_cast %div3A_586 : vector<16xf32> to vector<16xf32>
    tpu.vector_store %arg9[%swap3A_587], %swap3A_590 {strides = array<i32>} : memref<512xf32, #tpu.memory_space<vmem>>, vector<16xf32>,
    %get3A_591 = arith.constant 336 : index
    %get3A_592 = tpu.vector_load %arg7[%get3A_591] {strides = array<i32>} : memref<512xf32, #tpu.memory_space<vmem>>, vector<16xf32>,
    %get3A_593 = vector.shape_cast %get3A_592 : vector<16xf32> to vector<16xf32>
    %abs3A_594 = math.absf %get3A_593 : vector<16xf32>
    %mul3A_595 = arith.constant 6.000000e-01 : f32
    %mul3A_596 = vector.broadcast %mul3A_595 : f32 to vector<16xf32>
    %mul3A_597 = arith.mulf %mul3A_596, %abs3A_594 : vector<16xf32>
    %get3A_598 = arith.constant 336 : index
    %get3A_599 = tpu.vector_load %arg8[%get3A_598] {strides = array<i32>} : memref<512xf32, #tpu.memory_space<vmem>>, vector<16xf32>,
    %get3A_600 = vector.shape_cast %get3A_599 : vector<16xf32> to vector<16xf32>
    %mul3A_601 = arith.constant 4.000000e-01 : f32
    %mul3A_602 = vector.broadcast %mul3A_601 : f32 to vector<16xf32>
    %mul3A_603 = arith.mulf %mul3A_602, %get3A_600 : vector<16xf32>
    %add3A_604 = arith.addf %mul3A_597, %mul3A_603 : vector<16xf32>
    %neg3A_605 = arith.constant 0.000000e+00 : f32
    %neg3A_606 = vector.broadcast %neg3A_605 : f32 to vector<16xf32>
    %neg3A_607 = arith.subf %neg3A_606, %add3A_604 : vector<16xf32>
    %exp3A_608 = math.exp %neg3A_607 : vector<16xf32>
    %add3A_609 = arith.constant 1.000000e+00 : f32
    %add3A_610 = vector.broadcast %add3A_609 : f32 to vector<16xf32>
    %add3A_611 = arith.addf %add3A_610, %exp3A_608 : vector<16xf32>
    %div3A_612 = arith.constant 1.000000e+00 : f32
    %div3A_613 = vector.broadcast %div3A_612 : f32 to vector<16xf32>
    %div3A_614 = arith.divf %div3A_613, %add3A_611 : vector<16xf32>
    %swap3A_615 = arith.constant 336 : index
    %swap3A_616 = tpu.vector_load %arg9[%swap3A_615] {strides = array<i32>} : memref<512xf32, #tpu.memory_space<vmem>>, vector<16xf32>,
    %swap3A_617 = vector.shape_cast %swap3A_616 : vector<16xf32> to vector<16xf32>
    %swap3A_618 = vector.shape_cast %div3A_614 : vector<16xf32> to vector<16xf32>
    tpu.vector_store %arg9[%swap3A_615], %swap3A_618 {strides = array<i32>} : memref<512xf32, #tpu.memory_space<vmem>>, vector<16xf32>,
    %get3A_619 = arith.constant 352 : index
    %get3A_620 = tpu.vector_load %arg7[%get3A_619] {strides = array<i32>} : memref<512xf32, #tpu.memory_space<vmem>>, vector<16xf32>,
    %get3A_621 = vector.shape_cast %get3A_620 : vector<16xf32> to vector<16xf32>
    %abs3A_622 = math.absf %get3A_621 : vector<16xf32>
    %mul3A_623 = arith.constant 6.000000e-01 : f32
    %mul3A_624 = vector.broadcast %mul3A_623 : f32 to vector<16xf32>
    %mul3A_625 = arith.mulf %mul3A_624, %abs3A_622 : vector<16xf32>
    %get3A_626 = arith.constant 352 : index
    %get3A_627 = tpu.vector_load %arg8[%get3A_626] {strides = array<i32>} : memref<512xf32, #tpu.memory_space<vmem>>, vector<16xf32>,
    %get3A_628 = vector.shape_cast %get3A_627 : vector<16xf32> to vector<16xf32>
    %mul3A_629 = arith.constant 4.000000e-01 : f32
    %mul3A_630 = vector.broadcast %mul3A_629 : f32 to vector<16xf32>
    %mul3A_631 = arith.mulf %mul3A_630, %get3A_628 : vector<16xf32>
    %add3A_632 = arith.addf %mul3A_625, %mul3A_631 : vector<16xf32>
    %neg3A_633 = arith.constant 0.000000e+00 : f32
    %neg3A_634 = vector.broadcast %neg3A_633 : f32 to vector<16xf32>
    %neg3A_635 = arith.subf %neg3A_634, %add3A_632 : vector<16xf32>
    %exp3A_636 = math.exp %neg3A_635 : vector<16xf32>
    %add3A_637 = arith.constant 1.000000e+00 : f32
    %add3A_638 = vector.broadcast %add3A_637 : f32 to vector<16xf32>
    %add3A_639 = arith.addf %add3A_638, %exp3A_636 : vector<16xf32>
    %div3A_640 = arith.constant 1.000000e+00 : f32
    %div3A_641 = vector.broadcast %div3A_640 : f32 to vector<16xf32>
    %div3A_642 = arith.divf %div3A_641, %add3A_639 : vector<16xf32>
    %swap3A_643 = arith.constant 352 : index
    %swap3A_644 = tpu.vector_load %arg9[%swap3A_643] {strides = array<i32>} : memref<512xf32, #tpu.memory_space<vmem>>, vector<16xf32>,
    %swap3A_645 = vector.shape_cast %swap3A_644 : vector<16xf32> to vector<16xf32>
    %swap3A_646 = vector.shape_cast %div3A_642 : vector<16xf32> to vector<16xf32>
    tpu.vector_store %arg9[%swap3A_643], %swap3A_646 {strides = array<i32>} : memref<512xf32, #tpu.memory_space<vmem>>, vector<16xf32>,
    %get3A_647 = arith.constant 368 : index
    %get3A_648 = tpu.vector_load %arg7[%get3A_647] {strides = array<i32>} : memref<512xf32, #tpu.memory_space<vmem>>, vector<16xf32>,
    %get3A_649 = vector.shape_cast %get3A_648 : vector<16xf32> to vector<16xf32>
    %abs3A_650 = math.absf %get3A_649 : vector<16xf32>
    %mul3A_651 = arith.constant 6.000000e-01 : f32
    %mul3A_652 = vector.broadcast %mul3A_651 : f32 to vector<16xf32>
    %mul3A_653 = arith.mulf %mul3A_652, %abs3A_650 : vector<16xf32>
    %get3A_654 = arith.constant 368 : index
    %get3A_655 = tpu.vector_load %arg8[%get3A_654] {strides = array<i32>} : memref<512xf32, #tpu.memory_space<vmem>>, vector<16xf32>,
    %get3A_656 = vector.shape_cast %get3A_655 : vector<16xf32> to vector<16xf32>
    %mul3A_657 = arith.constant 4.000000e-01 : f32
    %mul3A_658 = vector.broadcast %mul3A_657 : f32 to vector<16xf32>
    %mul3A_659 = arith.mulf %mul3A_658, %get3A_656 : vector<16xf32>
    %add3A_660 = arith.addf %mul3A_653, %mul3A_659 : vector<16xf32>
    %neg3A_661 = arith.constant 0.000000e+00 : f32
    %neg3A_662 = vector.broadcast %neg3A_661 : f32 to vector<16xf32>
    %neg3A_663 = arith.subf %neg3A_662, %add3A_660 : vector<16xf32>
    %exp3A_664 = math.exp %neg3A_663 : vector<16xf32>
    %add3A_665 = arith.constant 1.000000e+00 : f32
    %add3A_666 = vector.broadcast %add3A_665 : f32 to vector<16xf32>
    %add3A_667 = arith.addf %add3A_666, %exp3A_664 : vector<16xf32>
    %div3A_668 = arith.constant 1.000000e+00 : f32
    %div3A_669 = vector.broadcast %div3A_668 : f32 to vector<16xf32>
    %div3A_670 = arith.divf %div3A_669, %add3A_667 : vector<16xf32>
    %swap3A_671 = arith.constant 368 : index
    %swap3A_672 = tpu.vector_load %arg9[%swap3A_671] {strides = array<i32>} : memref<512xf32, #tpu.memory_space<vmem>>, vector<16xf32>,
    %swap3A_673 = vector.shape_cast %swap3A_672 : vector<16xf32> to vector<16xf32>
    %swap3A_674 = vector.shape_cast %div3A_670 : vector<16xf32> to vector<16xf32>
    tpu.vector_store %arg9[%swap3A_671], %swap3A_674 {strides = array<i32>} : memref<512xf32, #tpu.memory_space<vmem>>, vector<16xf32>,
    %get3A_675 = arith.constant 384 : index
    %get3A_676 = tpu.vector_load %arg7[%get3A_675] {strides = array<i32>} : memref<512xf32, #tpu.memory_space<vmem>>, vector<16xf32>,
    %get3A_677 = vector.shape_cast %get3A_676 : vector<16xf32> to vector<16xf32>
    %abs3A_678 = math.absf %get3A_677 : vector<16xf32>
    %mul3A_679 = arith.constant 6.000000e-01 : f32
    %mul3A_680 = vector.broadcast %mul3A_679 : f32 to vector<16xf32>
    %mul3A_681 = arith.mulf %mul3A_680, %abs3A_678 : vector<16xf32>
    %get3A_682 = arith.constant 384 : index
    %get3A_683 = tpu.vector_load %arg8[%get3A_682] {strides = array<i32>} : memref<512xf32, #tpu.memory_space<vmem>>, vector<16xf32>,
    %get3A_684 = vector.shape_cast %get3A_683 : vector<16xf32> to vector<16xf32>
    %mul3A_685 = arith.constant 4.000000e-01 : f32
    %mul3A_686 = vector.broadcast %mul3A_685 : f32 to vector<16xf32>
    %mul3A_687 = arith.mulf %mul3A_686, %get3A_684 : vector<16xf32>
    %add3A_688 = arith.addf %mul3A_681, %mul3A_687 : vector<16xf32>
    %neg3A_689 = arith.constant 0.000000e+00 : f32
    %neg3A_690 = vector.broadcast %neg3A_689 : f32 to vector<16xf32>
    %neg3A_691 = arith.subf %neg3A_690, %add3A_688 : vector<16xf32>
    %exp3A_692 = math.exp %neg3A_691 : vector<16xf32>
    %add3A_693 = arith.constant 1.000000e+00 : f32
    %add3A_694 = vector.broadcast %add3A_693 : f32 to vector<16xf32>
    %add3A_695 = arith.addf %add3A_694, %exp3A_692 : vector<16xf32>
    %div3A_696 = arith.constant 1.000000e+00 : f32
    %div3A_697 = vector.broadcast %div3A_696 : f32 to vector<16xf32>
    %div3A_698 = arith.divf %div3A_697, %add3A_695 : vector<16xf32>
    %swap3A_699 = arith.constant 384 : index
    %swap3A_700 = tpu.vector_load %arg9[%swap3A_699] {strides = array<i32>} : memref<512xf32, #tpu.memory_space<vmem>>, vector<16xf32>,
    %swap3A_701 = vector.shape_cast %swap3A_700 : vector<16xf32> to vector<16xf32>
    %swap3A_702 = vector.shape_cast %div3A_698 : vector<16xf32> to vector<16xf32>
    tpu.vector_store %arg9[%swap3A_699], %swap3A_702 {strides = array<i32>} : memref<512xf32, #tpu.memory_space<vmem>>, vector<16xf32>,
    %get3A_703 = arith.constant 400 : index
    %get3A_704 = tpu.vector_load %arg7[%get3A_703] {strides = array<i32>} : memref<512xf32, #tpu.memory_space<vmem>>, vector<16xf32>,
    %get3A_705 = vector.shape_cast %get3A_704 : vector<16xf32> to vector<16xf32>
    %abs3A_706 = math.absf %get3A_705 : vector<16xf32>
    %mul3A_707 = arith.constant 6.000000e-01 : f32
    %mul3A_708 = vector.broadcast %mul3A_707 : f32 to vector<16xf32>
    %mul3A_709 = arith.mulf %mul3A_708, %abs3A_706 : vector<16xf32>
    %get3A_710 = arith.constant 400 : index
    %get3A_711 = tpu.vector_load %arg8[%get3A_710] {strides = array<i32>} : memref<512xf32, #tpu.memory_space<vmem>>, vector<16xf32>,
    %get3A_712 = vector.shape_cast %get3A_711 : vector<16xf32> to vector<16xf32>
    %mul3A_713 = arith.constant 4.000000e-01 : f32
    %mul3A_714 = vector.broadcast %mul3A_713 : f32 to vector<16xf32>
    %mul3A_715 = arith.mulf %mul3A_714, %get3A_712 : vector<16xf32>
    %add3A_716 = arith.addf %mul3A_709, %mul3A_715 : vector<16xf32>
    %neg3A_717 = arith.constant 0.000000e+00 : f32
    %neg3A_718 = vector.broadcast %neg3A_717 : f32 to vector<16xf32>
    %neg3A_719 = arith.subf %neg3A_718, %add3A_716 : vector<16xf32>
    %exp3A_720 = math.exp %neg3A_719 : vector<16xf32>
    %add3A_721 = arith.constant 1.000000e+00 : f32
    %add3A_722 = vector.broadcast %add3A_721 : f32 to vector<16xf32>
    %add3A_723 = arith.addf %add3A_722, %exp3A_720 : vector<16xf32>
    %div3A_724 = arith.constant 1.000000e+00 : f32
    %div3A_725 = vector.broadcast %div3A_724 : f32 to vector<16xf32>
    %div3A_726 = arith.divf %div3A_725, %add3A_723 : vector<16xf32>
    %swap3A_727 = arith.constant 400 : index
    %swap3A_728 = tpu.vector_load %arg9[%swap3A_727] {strides = array<i32>} : memref<512xf32, #tpu.memory_space<vmem>>, vector<16xf32>,
    %swap3A_729 = vector.shape_cast %swap3A_728 : vector<16xf32> to vector<16xf32>
    %swap3A_730 = vector.shape_cast %div3A_726 : vector<16xf32> to vector<16xf32>
    tpu.vector_store %arg9[%swap3A_727], %swap3A_730 {strides = array<i32>} : memref<512xf32, #tpu.memory_space<vmem>>, vector<16xf32>,
    %get3A_731 = arith.constant 416 : index
    %get3A_732 = tpu.vector_load %arg7[%get3A_731] {strides = array<i32>} : memref<512xf32, #tpu.memory_space<vmem>>, vector<16xf32>,
    %get3A_733 = vector.shape_cast %get3A_732 : vector<16xf32> to vector<16xf32>
    %abs3A_734 = math.absf %get3A_733 : vector<16xf32>
    %mul3A_735 = arith.constant 6.000000e-01 : f32
    %mul3A_736 = vector.broadcast %mul3A_735 : f32 to vector<16xf32>
    %mul3A_737 = arith.mulf %mul3A_736, %abs3A_734 : vector<16xf32>
    %get3A_738 = arith.constant 416 : index
    %get3A_739 = tpu.vector_load %arg8[%get3A_738] {strides = array<i32>} : memref<512xf32, #tpu.memory_space<vmem>>, vector<16xf32>,
    %get3A_740 = vector.shape_cast %get3A_739 : vector<16xf32> to vector<16xf32>
    %mul3A_741 = arith.constant 4.000000e-01 : f32
    %mul3A_742 = vector.broadcast %mul3A_741 : f32 to vector<16xf32>
    %mul3A_743 = arith.mulf %mul3A_742, %get3A_740 : vector<16xf32>
    %add3A_744 = arith.addf %mul3A_737, %mul3A_743 : vector<16xf32>
    %neg3A_745 = arith.constant 0.000000e+00 : f32
    %neg3A_746 = vector.broadcast %neg3A_745 : f32 to vector<16xf32>
    %neg3A_747 = arith.subf %neg3A_746, %add3A_744 : vector<16xf32>
    %exp3A_748 = math.exp %neg3A_747 : vector<16xf32>
    %add3A_749 = arith.constant 1.000000e+00 : f32
    %add3A_750 = vector.broadcast %add3A_749 : f32 to vector<16xf32>
    %add3A_751 = arith.addf %add3A_750, %exp3A_748 : vector<16xf32>
    %div3A_752 = arith.constant 1.000000e+00 : f32
    %div3A_753 = vector.broadcast %div3A_752 : f32 to vector<16xf32>
    %div3A_754 = arith.divf %div3A_753, %add3A_751 : vector<16xf32>
    %swap3A_755 = arith.constant 416 : index
    %swap3A_756 = tpu.vector_load %arg9[%swap3A_755] {strides = array<i32>} : memref<512xf32, #tpu.memory_space<vmem>>, vector<16xf32>,
    %swap3A_757 = vector.shape_cast %swap3A_756 : vector<16xf32> to vector<16xf32>
    %swap3A_758 = vector.shape_cast %div3A_754 : vector<16xf32> to vector<16xf32>
    tpu.vector_store %arg9[%swap3A_755], %swap3A_758 {strides = array<i32>} : memref<512xf32, #tpu.memory_space<vmem>>, vector<16xf32>,
    %get3A_759 = arith.constant 432 : index
    %get3A_760 = tpu.vector_load %arg7[%get3A_759] {strides = array<i32>} : memref<512xf32, #tpu.memory_space<vmem>>, vector<16xf32>,
    %get3A_761 = vector.shape_cast %get3A_760 : vector<16xf32> to vector<16xf32>
    %abs3A_762 = math.absf %get3A_761 : vector<16xf32>
    %mul3A_763 = arith.constant 6.000000e-01 : f32
    %mul3A_764 = vector.broadcast %mul3A_763 : f32 to vector<16xf32>
    %mul3A_765 = arith.mulf %mul3A_764, %abs3A_762 : vector<16xf32>
    %get3A_766 = arith.constant 432 : index
    %get3A_767 = tpu.vector_load %arg8[%get3A_766] {strides = array<i32>} : memref<512xf32, #tpu.memory_space<vmem>>, vector<16xf32>,
    %get3A_768 = vector.shape_cast %get3A_767 : vector<16xf32> to vector<16xf32>
    %mul3A_769 = arith.constant 4.000000e-01 : f32
    %mul3A_770 = vector.broadcast %mul3A_769 : f32 to vector<16xf32>
    %mul3A_771 = arith.mulf %mul3A_770, %get3A_768 : vector<16xf32>
    %add3A_772 = arith.addf %mul3A_765, %mul3A_771 : vector<16xf32>
    %neg3A_773 = arith.constant 0.000000e+00 : f32
    %neg3A_774 = vector.broadcast %neg3A_773 : f32 to vector<16xf32>
    %neg3A_775 = arith.subf %neg3A_774, %add3A_772 : vector<16xf32>
    %exp3A_776 = math.exp %neg3A_775 : vector<16xf32>
    %add3A_777 = arith.constant 1.000000e+00 : f32
    %add3A_778 = vector.broadcast %add3A_777 : f32 to vector<16xf32>
    %add3A_779 = arith.addf %add3A_778, %exp3A_776 : vector<16xf32>
    %div3A_780 = arith.constant 1.000000e+00 : f32
    %div3A_781 = vector.broadcast %div3A_780 : f32 to vector<16xf32>
    %div3A_782 = arith.divf %div3A_781, %add3A_779 : vector<16xf32>
    %swap3A_783 = arith.constant 432 : index
    %swap3A_784 = tpu.vector_load %arg9[%swap3A_783] {strides = array<i32>} : memref<512xf32, #tpu.memory_space<vmem>>, vector<16xf32>,
    %swap3A_785 = vector.shape_cast %swap3A_784 : vector<16xf32> to vector<16xf32>
    %swap3A_786 = vector.shape_cast %div3A_782 : vector<16xf32> to vector<16xf32>
    tpu.vector_store %arg9[%swap3A_783], %swap3A_786 {strides = array<i32>} : memref<512xf32, #tpu.memory_space<vmem>>, vector<16xf32>,
    %get3A_787 = arith.constant 448 : index
    %get3A_788 = tpu.vector_load %arg7[%get3A_787] {strides = array<i32>} : memref<512xf32, #tpu.memory_space<vmem>>, vector<16xf32>,
    %get3A_789 = vector.shape_cast %get3A_788 : vector<16xf32> to vector<16xf32>
    %abs3A_790 = math.absf %get3A_789 : vector<16xf32>
    %mul3A_791 = arith.constant 6.000000e-01 : f32
    %mul3A_792 = vector.broadcast %mul3A_791 : f32 to vector<16xf32>
    %mul3A_793 = arith.mulf %mul3A_792, %abs3A_790 : vector<16xf32>
    %get3A_794 = arith.constant 448 : index
    %get3A_795 = tpu.vector_load %arg8[%get3A_794] {strides = array<i32>} : memref<512xf32, #tpu.memory_space<vmem>>, vector<16xf32>,
    %get3A_796 = vector.shape_cast %get3A_795 : vector<16xf32> to vector<16xf32>
    %mul3A_797 = arith.constant 4.000000e-01 : f32
    %mul3A_798 = vector.broadcast %mul3A_797 : f32 to vector<16xf32>
    %mul3A_799 = arith.mulf %mul3A_798, %get3A_796 : vector<16xf32>
    %add3A_800 = arith.addf %mul3A_793, %mul3A_799 : vector<16xf32>
    %neg3A_801 = arith.constant 0.000000e+00 : f32
    %neg3A_802 = vector.broadcast %neg3A_801 : f32 to vector<16xf32>
    %neg3A_803 = arith.subf %neg3A_802, %add3A_800 : vector<16xf32>
    %exp3A_804 = math.exp %neg3A_803 : vector<16xf32>
    %add3A_805 = arith.constant 1.000000e+00 : f32
    %add3A_806 = vector.broadcast %add3A_805 : f32 to vector<16xf32>
    %add3A_807 = arith.addf %add3A_806, %exp3A_804 : vector<16xf32>
    %div3A_808 = arith.constant 1.000000e+00 : f32
    %div3A_809 = vector.broadcast %div3A_808 : f32 to vector<16xf32>
    %div3A_810 = arith.divf %div3A_809, %add3A_807 : vector<16xf32>
    %swap3A_811 = arith.constant 448 : index
    %swap3A_812 = tpu.vector_load %arg9[%swap3A_811] {strides = array<i32>} : memref<512xf32, #tpu.memory_space<vmem>>, vector<16xf32>,
    %swap3A_813 = vector.shape_cast %swap3A_812 : vector<16xf32> to vector<16xf32>
    %swap3A_814 = vector.shape_cast %div3A_810 : vector<16xf32> to vector<16xf32>
    tpu.vector_store %arg9[%swap3A_811], %swap3A_814 {strides = array<i32>} : memref<512xf32, #tpu.memory_space<vmem>>, vector<16xf32>,
    %get3A_815 = arith.constant 464 : index
    %get3A_816 = tpu.vector_load %arg7[%get3A_815] {strides = array<i32>} : memref<512xf32, #tpu.memory_space<vmem>>, vector<16xf32>,
    %get3A_817 = vector.shape_cast %get3A_816 : vector<16xf32> to vector<16xf32>
    %abs3A_818 = math.absf %get3A_817 : vector<16xf32>
    %mul3A_819 = arith.constant 6.000000e-01 : f32
    %mul3A_820 = vector.broadcast %mul3A_819 : f32 to vector<16xf32>
    %mul3A_821 = arith.mulf %mul3A_820, %abs3A_818 : vector<16xf32>
    %get3A_822 = arith.constant 464 : index
    %get3A_823 = tpu.vector_load %arg8[%get3A_822] {strides = array<i32>} : memref<512xf32, #tpu.memory_space<vmem>>, vector<16xf32>,
    %get3A_824 = vector.shape_cast %get3A_823 : vector<16xf32> to vector<16xf32>
    %mul3A_825 = arith.constant 4.000000e-01 : f32
    %mul3A_826 = vector.broadcast %mul3A_825 : f32 to vector<16xf32>
    %mul3A_827 = arith.mulf %mul3A_826, %get3A_824 : vector<16xf32>
    %add3A_828 = arith.addf %mul3A_821, %mul3A_827 : vector<16xf32>
    %neg3A_829 = arith.constant 0.000000e+00 : f32
    %neg3A_830 = vector.broadcast %neg3A_829 : f32 to vector<16xf32>
    %neg3A_831 = arith.subf %neg3A_830, %add3A_828 : vector<16xf32>
    %exp3A_832 = math.exp %neg3A_831 : vector<16xf32>
    %add3A_833 = arith.constant 1.000000e+00 : f32
    %add3A_834 = vector.broadcast %add3A_833 : f32 to vector<16xf32>
    %add3A_835 = arith.addf %add3A_834, %exp3A_832 : vector<16xf32>
    %div3A_836 = arith.constant 1.000000e+00 : f32
    %div3A_837 = vector.broadcast %div3A_836 : f32 to vector<16xf32>
    %div3A_838 = arith.divf %div3A_837, %add3A_835 : vector<16xf32>
    %swap3A_839 = arith.constant 464 : index
    %swap3A_840 = tpu.vector_load %arg9[%swap3A_839] {strides = array<i32>} : memref<512xf32, #tpu.memory_space<vmem>>, vector<16xf32>,
    %swap3A_841 = vector.shape_cast %swap3A_840 : vector<16xf32> to vector<16xf32>
    %swap3A_842 = vector.shape_cast %div3A_838 : vector<16xf32> to vector<16xf32>
    tpu.vector_store %arg9[%swap3A_839], %swap3A_842 {strides = array<i32>} : memref<512xf32, #tpu.memory_space<vmem>>, vector<16xf32>,
    %get3A_843 = arith.constant 480 : index
    %get3A_844 = tpu.vector_load %arg7[%get3A_843] {strides = array<i32>} : memref<512xf32, #tpu.memory_space<vmem>>, vector<16xf32>,
    %get3A_845 = vector.shape_cast %get3A_844 : vector<16xf32> to vector<16xf32>
    %abs3A_846 = math.absf %get3A_845 : vector<16xf32>
    %mul3A_847 = arith.constant 6.000000e-01 : f32
    %mul3A_848 = vector.broadcast %mul3A_847 : f32 to vector<16xf32>
    %mul3A_849 = arith.mulf %mul3A_848, %abs3A_846 : vector<16xf32>
    %get3A_850 = arith.constant 480 : index
    %get3A_851 = tpu.vector_load %arg8[%get3A_850] {strides = array<i32>} : memref<512xf32, #tpu.memory_space<vmem>>, vector<16xf32>,
    %get3A_852 = vector.shape_cast %get3A_851 : vector<16xf32> to vector<16xf32>
    %mul3A_853 = arith.constant 4.000000e-01 : f32
    %mul3A_854 = vector.broadcast %mul3A_853 : f32 to vector<16xf32>
    %mul3A_855 = arith.mulf %mul3A_854, %get3A_852 : vector<16xf32>
    %add3A_856 = arith.addf %mul3A_849, %mul3A_855 : vector<16xf32>
    %neg3A_857 = arith.constant 0.000000e+00 : f32
    %neg3A_858 = vector.broadcast %neg3A_857 : f32 to vector<16xf32>
    %neg3A_859 = arith.subf %neg3A_858, %add3A_856 : vector<16xf32>
    %exp3A_860 = math.exp %neg3A_859 : vector<16xf32>
    %add3A_861 = arith.constant 1.000000e+00 : f32
    %add3A_862 = vector.broadcast %add3A_861 : f32 to vector<16xf32>
    %add3A_863 = arith.addf %add3A_862, %exp3A_860 : vector<16xf32>
    %div3A_864 = arith.constant 1.000000e+00 : f32
    %div3A_865 = vector.broadcast %div3A_864 : f32 to vector<16xf32>
    %div3A_866 = arith.divf %div3A_865, %add3A_863 : vector<16xf32>
    %swap3A_867 = arith.constant 480 : index
    %swap3A_868 = tpu.vector_load %arg9[%swap3A_867] {strides = array<i32>} : memref<512xf32, #tpu.memory_space<vmem>>, vector<16xf32>,
    %swap3A_869 = vector.shape_cast %swap3A_868 : vector<16xf32> to vector<16xf32>
    %swap3A_870 = vector.shape_cast %div3A_866 : vector<16xf32> to vector<16xf32>
    tpu.vector_store %arg9[%swap3A_867], %swap3A_870 {strides = array<i32>} : memref<512xf32, #tpu.memory_space<vmem>>, vector<16xf32>,
    %get3A_871 = arith.constant 496 : index
    %get3A_872 = tpu.vector_load %arg7[%get3A_871] {strides = array<i32>} : memref<512xf32, #tpu.memory_space<vmem>>, vector<16xf32>,
    %get3A_873 = vector.shape_cast %get3A_872 : vector<16xf32> to vector<16xf32>
    %abs3A_874 = math.absf %get3A_873 : vector<16xf32>
    %mul3A_875 = arith.constant 6.000000e-01 : f32
    %mul3A_876 = vector.broadcast %mul3A_875 : f32 to vector<16xf32>
    %mul3A_877 = arith.mulf %mul3A_876, %abs3A_874 : vector<16xf32>
    %get3A_878 = arith.constant 496 : index
    %get3A_879 = tpu.vector_load %arg8[%get3A_878] {strides = array<i32>} : memref<512xf32, #tpu.memory_space<vmem>>, vector<16xf32>,
    %get3A_880 = vector.shape_cast %get3A_879 : vector<16xf32> to vector<16xf32>
    %mul3A_881 = arith.constant 4.000000e-01 : f32
    %mul3A_882 = vector.broadcast %mul3A_881 : f32 to vector<16xf32>
    %mul3A_883 = arith.mulf %mul3A_882, %get3A_880 : vector<16xf32>
    %add3A_884 = arith.addf %mul3A_877, %mul3A_883 : vector<16xf32>
    %neg3A_885 = arith.constant 0.000000e+00 : f32
    %neg3A_886 = vector.broadcast %neg3A_885 : f32 to vector<16xf32>
    %neg3A_887 = arith.subf %neg3A_886, %add3A_884 : vector<16xf32>
    %exp3A_888 = math.exp %neg3A_887 : vector<16xf32>
    %add3A_889 = arith.constant 1.000000e+00 : f32
    %add3A_890 = vector.broadcast %add3A_889 : f32 to vector<16xf32>
    %add3A_891 = arith.addf %add3A_890, %exp3A_888 : vector<16xf32>
    %div3A_892 = arith.constant 1.000000e+00 : f32
    %div3A_893 = vector.broadcast %div3A_892 : f32 to vector<16xf32>
    %div3A_894 = arith.divf %div3A_893, %add3A_891 : vector<16xf32>
    %swap3A_895 = arith.constant 496 : index
    %swap3A_896 = tpu.vector_load %arg9[%swap3A_895] {strides = array<i32>} : memref<512xf32, #tpu.memory_space<vmem>>, vector<16xf32>,
    %swap3A_897 = vector.shape_cast %swap3A_896 : vector<16xf32> to vector<16xf32>
    %swap3A_898 = vector.shape_cast %div3A_894 : vector<16xf32> to vector<16xf32>
    tpu.vector_store %arg9[%swap3A_895], %swap3A_898 {strides = array<i32>} : memref<512xf32, #tpu.memory_space<vmem>>, vector<16xf32>,
    "tpu.region"() ({
      %run_scoped3A = tpu.sem_alloc : memref<!tpu.dma_semaphore, #tpu.memory_space<semaphore_mem>>
      %dma_start3A_899 = tpu.memref_slice %arg5[%mul3A_2] : memref<16384xf32, #tpu.memory_space<hbm>> -> memref<512xf32, #tpu.memory_space<hbm>>
      %dma_start3A_900 = tpu.memref_slice %arg5[%mul3A_2] : memref<16384xf32, #tpu.memory_space<hbm>> -> memref<512xf32, #tpu.memory_space<hbm>>
      tpu.enqueue_dma source(%arg9 : memref<512xf32, #tpu.memory_space<vmem>>) target(%dma_start3A_900 : memref<512xf32, #tpu.memory_space<hbm>>) target_semaphore(%run_scoped3A : memref<!tpu.dma_semaphore, #tpu.memory_space<semaphore_mem>>)
      %dma_wait3A_901 = tpu.memref_slice %arg5[%mul3A_2] : memref<16384xf32, #tpu.memory_space<hbm>> -> memref<512xf32, #tpu.memory_space<hbm>>
      %dma_wait3A_902 = tpu.memref_slice %arg5[%mul3A_2] : memref<16384xf32, #tpu.memory_space<hbm>> -> memref<512xf32, #tpu.memory_space<hbm>>
      tpu.wait_dma2 semaphore(%run_scoped3A : memref<!tpu.dma_semaphore, #tpu.memory_space<semaphore_mem>>) src(%arg9 : memref<512xf32, #tpu.memory_space<vmem>>) dst(%dma_wait3A_902 : memref<512xf32, #tpu.memory_space<hbm>>)
      tpu.yield
    }) : () -> ()
    return
  }
}

module attributes {stable_mosaic.version = 14 : i64} {
  func.func @_nn_body(%arg0: i32, %arg1: memref<1024x3xf32, #tpu.memory_space<vmem>>, %arg2: memref<3x4096xf32, #tpu.memory_space<vmem>>, %arg3: memref<1x1x1024xi32, #tpu.memory_space<vmem>>) attributes {dimension_semantics = [#tpu.dimension_semantics<arbitrary>], iteration_bounds = array<i64: 16>, scalar_prefetch = 0 : i64, scratch_operands = 0 : i64, tpu.core_type = #tpu.core_type<tc>, window_params = [{transform_indices = @transform_0, window_bounds = array<i64: 1024, 3>}, {pipeline_mode = #tpu.pipeline_mode<synchronous>, transform_indices = @transform_1, window_bounds = array<i64: 3, 4096>}, {transform_indices = @transform_2, window_bounds = array<i64: 1, 1, 1024>}]} {
    %get3A = arith.constant 0 : index
    %get3A_0 = arith.constant 0 : index
    %get3A_1 = vector.load %arg1[%get3A, %get3A_0] : memref<1024x3xf32, #tpu.memory_space<vmem>>, vector<1024x3xf32>
    %get3A_2 = arith.constant 0 : index
    %get3A_3 = arith.constant 0 : index
    %get3A_4 = vector.load %arg2[%get3A_2, %get3A_3] : memref<3x4096xf32, #tpu.memory_space<vmem>>, vector<3x4096xf32>
    %dot_general3A = arith.constant dense<0.000000e+00> : vector<1024x4096xf32>
    %dot_general3A_5 = tpu.matmul %get3A_1, %get3A_4, %dot_general3A {dimension_numbers = #tpu.dot_dimension_numbers<[1], [0], [0], [1], [0, 0, 1, 1], [], []>, transpose_lhs_hint = false} : vector<1024x3xf32>, vector<3x4096xf32>, vector<1024x4096xf32> -> vector<1024x4096xf32>
    %get3A_6 = arith.constant 0 : index
    %get3A_7 = arith.constant 0 : index
    %get3A_8 = vector.load %arg1[%get3A_6, %get3A_7] : memref<1024x3xf32, #tpu.memory_space<vmem>>, vector<1024x3xf32>
    %mul3A = arith.mulf %get3A_8, %get3A_8 : vector<1024x3xf32>
    %reduce_sum3A = arith.constant dense<0.000000e+00> : vector<1024xf32>
    %reduce_sum3A_9 = vector.multi_reduction <add>, %mul3A, %reduce_sum3A [1] : vector<1024x3xf32> to vector<1024xf32>
    %broadcast_in_dim3A = vector.shape_cast %reduce_sum3A_9 : vector<1024xf32> to vector<1024x1xf32>
    %get3A_10 = arith.constant 0 : index
    %get3A_11 = arith.constant 0 : index
    %get3A_12 = vector.load %arg2[%get3A_10, %get3A_11] : memref<3x4096xf32, #tpu.memory_space<vmem>>, vector<3x4096xf32>
    %mul3A_13 = arith.mulf %get3A_12, %get3A_12 : vector<3x4096xf32>
    %reduce_sum3A_14 = arith.constant dense<0.000000e+00> : vector<4096xf32>
    %reduce_sum3A_15 = vector.multi_reduction <add>, %mul3A_13, %reduce_sum3A_14 [0] : vector<3x4096xf32> to vector<4096xf32>
    %broadcast_in_dim3A_16 = vector.shape_cast %reduce_sum3A_15 : vector<4096xf32> to vector<1x4096xf32>
    %add3A = vector.broadcast %broadcast_in_dim3A : vector<1024x1xf32> to vector<1024x4096xf32>
    %add3A_17 = vector.broadcast %broadcast_in_dim3A_16 : vector<1x4096xf32> to vector<1024x4096xf32>
    %add3A_18 = arith.addf %add3A, %add3A_17 : vector<1024x4096xf32>
    %mul3A_19 = arith.constant 2.000000e+00 : f32
    %mul3A_20 = vector.broadcast %mul3A_19 : f32 to vector<1024x4096xf32>
    %mul3A_21 = arith.mulf %mul3A_20, %dot_general3A_5 : vector<1024x4096xf32>
    %sub3A = arith.subf %add3A_18, %mul3A_21 : vector<1024x4096xf32>
    %max3A = arith.constant 0.000000e+00 : f32
    %max3A_22 = vector.broadcast %max3A : f32 to vector<1024x4096xf32>
    %max3A_23 = arith.maximumf %sub3A, %max3A_22 : vector<1024x4096xf32>
    %sqrt3A = math.sqrt %max3A_23 : vector<1024x4096xf32>
    %reduce_min3A = arith.constant dense<0x7F800000> : vector<1024xf32>
    %reduce_min3A_24 = vector.multi_reduction <minimumf>, %sqrt3A, %reduce_min3A [1] : vector<1024x4096xf32> to vector<1024xf32>
    %broadcast_in_dim3A_25 = vector.shape_cast %reduce_min3A_24 : vector<1024xf32> to vector<1024x1xf32>
    %iota3A = tpu.iota {dimensions = array<i32: 1>} : vector<1024x4096xi32>
    %eq3A = vector.broadcast %broadcast_in_dim3A_25 : vector<1024x1xf32> to vector<1024x4096xf32>
    %eq3A_26 = arith.cmpf oeq, %sqrt3A, %eq3A : vector<1024x4096xf32>
    %jit3A = arith.constant 4096 : i32
    %broadcast_in_dim3A_27 = vector.broadcast %jit3A : i32 to vector<1024x4096xi32>
    %select_n3A = arith.select %eq3A_26, %iota3A, %broadcast_in_dim3A_27 : vector<1024x4096xi1>, vector<1024x4096xi32>
    %reduce_min3A_28 = arith.constant dense<2147483647> : vector<1024xi32>
    %reduce_min3A_29 = vector.multi_reduction <minsi>, %select_n3A, %reduce_min3A_28 [1] : vector<1024x4096xi32> to vector<1024xi32>
    %reshape3A = vector.shape_cast %reduce_min3A_29 : vector<1024xi32> to vector<1x1x1024xi32>
    %swap3A = arith.constant 0 : index
    %swap3A_30 = arith.constant 0 : index
    %swap3A_31 = arith.constant 0 : index
    %swap3A_32 = vector.load %arg3[%swap3A, %swap3A_30, %swap3A_31] : memref<1x1x1024xi32, #tpu.memory_space<vmem>>, vector<1x1x1024xi32>
    tpu.vector_store %arg3[%swap3A, %swap3A_30, %swap3A_31], %reshape3A {strides = array<i32>} : memref<1x1x1024xi32, #tpu.memory_space<vmem>>, vector<1x1x1024xi32>,
    return
  }
  func.func @transform_0(%arg0: i32) -> (i32, i32) {
    %c0_i32 = arith.constant 0 : i32
    %c0_i32_0 = arith.constant 0 : i32
    return %arg0, %c0_i32 : i32, i32
  }
  func.func @transform_1(%arg0: i32) -> (i32, i32) {
    %c0_i32 = arith.constant 0 : i32
    %c0_i32_0 = arith.constant 0 : i32
    %c0_i32_1 = arith.constant 0 : i32
    return %c0_i32, %c0_i32_0 : i32, i32
  }
  func.func @transform_2(%arg0: i32) -> (i32, i32, i32) {
    %c0_i32 = arith.constant 0 : i32
    %c0_i32_0 = arith.constant 0 : i32
    %c0_i32_1 = arith.constant 0 : i32
    return %arg0, %c0_i32, %c0_i32_0 : i32, i32, i32
  }
}

</mosaic_0001>

<sc_bundles>
// kernel: kernel.4.cloned.1.call-start
scs
__scs_entry_jumppad:
0x0: {  	(pc) =	sbr.rel $0x88, $3  }
0x1: {  	(tag) =	ssettag $0x0;
	lr =	simm.s32 $0x1  }
0x2: {  	[smem:$0x3F9E] =	sst lr;
	_ =	strace $0xD0000000  }
0x3: {  	_ = 	snop  }
0x4: {  	_ = 	snop  }
0x5: {  	_ = 	snop  }
0x6: {  	_ = 	snop  }
0x7: {  	_ = 	snop  }
__scs_overlays_trampoline_lowered:
0x8: {  	[smem:$0x3FAD] =	sst s0  }
0x9: {  	[smem:$0x3FAE] =	sst s1  }
0xa: {  	[smem:$0x3FAF] =	sst s2  }
0xb: {  	[smem:$0x3FB0] =	sst s3  }
0xc: {  	[smem:$0x3FB1] =	sst s4  }
0xd: {  	[smem:$0x3FB2] =	sst s5  }
0xe: {  	[smem:$0x3FB3] =	sst s6  }
0xf: {  	[smem:$0x3FB4] =	sst s7  }
0x10: {  	[smem:$0x3FB5] =	sst s8  }
0x11: {  	[smem:$0x3FB6] =	sst s9;
	s0 =	simm.s32 @!p0 $0x0  }
0x12: {  	s1 =	sld [smem:$0x3F9C];
	s0 =	simm.s32 @p0 $0x1  }
0x13: {  	[smem:$0x3FB7] =	sst s0;
	s0 =	simm.s32 @!p1 $0x0  }
0x14: {  	s2 =	sld [smem:$0x3F9B];
	s0 =	simm.s32 @p1 $0x1  }
0x15: {  	[smem:$0x3FB8] =	sst s0;
	s0 =	simm.s32 @!p2 $0x0  }
0x16: {  	s3 =	sld [smem:$0x3FDB];
	s0 =	simm.s32 @p2 $0x1  }
0x17: {  	s4 =	simm.s32 $0x1BF5;
	[smem:$0x3FBA] =	sst s0  }
0x18: {  	s0 =	sld [smem:$0x3F9D];
	_ =	swait.ge [sflag:s4], $0x0  }
0x19: {  	s7 =	sld [smem:$0x3F9E]  }
0x1a: {  	s8 =	sadd.s32 $0xFFFFE003, lr  }
0x1b: {  	s9 =	sadd.s32 $0xFFFFFEF7, lr;
	s5 =	simm.s32 $0xFFFFFFFF;
	p2 =	slt.u32 s8, $0xFFFFF086  }
0x1c: {  	p1 =	slt.u32 s9, $0xF7A;
	s5 =	simm.s32 @!p2 $0x0  }
0x1d: {  	s5 =	simm.s32 @p1 $0x1;
	p0 =	seq.s32 s7, s2  }
0x1e: {  	s7 =	smul.u32 @!p0 $0xF7A, s2;
	p2 =	seq.s32 @!p0 s5, $0x0  }
0x1f: {  	s9 =	smul.u32 $0xF7A, s1;
	s8 =	simm.s32 @!p0 $0x1BF5;
	p2 =	por !p2, p0  }
0x20: {  	[sflag:s8] =	ssyncset.s32 @!p0 $0xFFFFF086;
	s6 =	sadd.s32 @!p0 s3, s7;
	s7 =	simm.s32 @!p0 $0x108  }
0x21: {  	s3 =	sadd.s32 s3, s9;
	s6 =	sadd.s32 @!p0 $0x88, s6;
	s7 =	simm.s32 @p2 $0x1082  }
0x22: {  	[simem:s7], [sflag:s8] =	dma.local @!p0 [hbm:s6], $0xF7A  }
0x23: {  	s9 =	sor.u32 $0xD0000000, s2;
	s6 =	simm.s32 $0x108;
	_ =	swait.ge @!p0 [sflag:s8], $0x0  }
0x24: {  	s3 =	sadd.s32 $0x88, s3;
	s6 =	simm.s32 @!p1 $0x1082;
	[sflag:s4] =	ssyncset.s32 $0xFFFFF086  }
0x25: {  	[simem:s6], [sflag:s4] =	dma.local [hbm:s3], $0xF7A  }
0x26: {  	[smem:$0x3F9E] =	sst s1;
	(tag) =	ssettag s2;
	_ =	strace s9  }
0x27: {  	s1 =	sld [smem:$0x3FAE]  }
0x28: {  	s2 =	sld [smem:$0x3FAF]  }
0x29: {  	s4 =	sld [smem:$0x3FB1]  }
0x2a: {  	p0 =	seq.s32 s5, $0x0;
	s5 =	sld [smem:$0x3FB2]  }
0x2b: {  	s6 =	sld [smem:$0x3FB3]  }
0x2c: {  	s7 =	sld [smem:$0x3FB4]  }
0x2d: {  	s3 =	simm.s32 $0x108;
	s8 =	sld [smem:$0x3FB5]  }
0x2e: {  	s3 =	simm.s32 @!p0 $0x1082;
	s9 =	sld [smem:$0x3FB6]  }
0x2f: {  	lr =	sadd.s32 s0, s3;
	s0 =	sld [smem:$0x3FAD]  }
0x30: {  	s3 =	sld [smem:$0x3FB0]  }
0x31: {  	[smem:$0x3FB9] =	sst s10  }
0x32: {  	s10 =	sld [smem:$0x3FB7];
	_ =	sdelay $0x3  }
0x33: {  	p0 =	seq.s32 s10, $0x1;
	s10 =	sld [smem:$0x3FB9];
	_ =	sdelay $0x3  }
0x34: {  	[smem:$0x3FB9] =	sst s10  }
0x35: {  	s10 =	sld [smem:$0x3FB8];
	_ =	sdelay $0x3  }
0x36: {  	p1 =	seq.s32 s10, $0x1;
	s10 =	sld [smem:$0x3FB9];
	_ =	sdelay $0x3  }
0x37: {  	[smem:$0x3FB9] =	sst s10  }
0x38: {  	s10 =	sld [smem:$0x3FBA]  }
0x39: {  	_ = 	snop;
	(pc) =	sbr.ind lr, $3  }
0x3a: {  	_ = 	snop  }
0x3b: {  	_ = 	snop  }
0x3c: {  	p2 =	seq.s32 s10, $0x1;
	s10 =	sld [smem:$0x3FB9]  }
0x3d: {  	_ =	shalt  }
0x3e: {  	_ =	shalt  }
0x3f: {  	_ =	shalt  }
0x40: {  	_ =	shalt  }
0x41: {  	_ =	shalt  }
0x42: {  	_ =	shalt  }
0x43: {  	_ =	shalt  }
0x44: {  	_ =	shalt  }
0x45: {  	_ =	shalt  }
0x46: {  	_ =	shalt  }
0x47: {  	_ =	shalt  }
0x48: {  	_ =	shalt  }
0x49: {  	_ =	shalt  }
0x4a: {  	_ =	shalt  }
0x4b: {  	_ =	shalt  }
0x4c: {  	_ =	shalt  }
0x4d: {  	_ =	shalt  }
0x4e: {  	_ =	shalt  }
0x4f: {  	_ =	shalt  }
0x50: {  	_ =	shalt  }
0x51: {  	_ =	shalt  }
0x52: {  	_ =	shalt  }
0x53: {  	_ =	shalt  }
0x54: {  	_ =	shalt  }
0x55: {  	_ =	shalt  }
0x56: {  	_ =	shalt  }
0x57: {  	_ =	shalt  }
0x58: {  	_ =	shalt  }
0x59: {  	_ =	shalt  }
0x5a: {  	_ =	shalt  }
0x5b: {  	_ =	shalt  }
0x5c: {  	_ =	shalt  }
0x5d: {  	_ =	shalt  }
0x5e: {  	_ =	shalt  }
0x5f: {  	_ =	shalt  }
0x60: {  	_ =	shalt  }
0x61: {  	_ =	shalt  }
0x62: {  	_ =	shalt  }
0x63: {  	_ =	shalt  }
0x64: {  	_ =	shalt  }
0x65: {  	_ =	shalt  }
0x66: {  	_ =	shalt  }
0x67: {  	_ =	shalt  }
0x68: {  	_ =	shalt  }
0x69: {  	_ =	shalt  }
0x6a: {  	_ =	shalt  }
0x6b: {  	_ =	shalt  }
0x6c: {  	_ =	shalt  }
0x6d: {  	_ =	shalt  }
0x6e: {  	_ =	shalt  }
0x6f: {  	_ =	shalt  }
0x70: {  	_ =	shalt  }
0x71: {  	_ =	shalt  }
0x72: {  	_ =	shalt  }
0x73: {  	_ =	shalt  }
0x74: {  	_ =	shalt  }
0x75: {  	_ =	shalt  }
0x76: {  	_ =	shalt  }
0x77: {  	_ =	shalt  }
0x78: {  	_ =	shalt  }
0x79: {  	_ =	shalt  }
0x7a: {  	_ =	shalt  }
0x7b: {  	_ =	shalt  }
0x7c: {  	_ =	shalt  }
0x7d: {  	_ =	shalt  }
0x7e: {  	_ =	shalt  }
0x7f: {  	_ =	shalt  }
0x80: {  	_ =	shalt  }
0x81: {  	_ =	shalt  }
0x82: {  	_ =	shalt  }
0x83: {  	_ =	shalt  }
0x84: {  	_ =	shalt  }
0x85: {  	_ =	shalt  }
0x86: {  	_ =	shalt  }
0x87: {  	_ =	shalt  }
.Lfunc_end0:
.L_simem_size_0:
called_computation_lowered:
.L_overlay_start_0:
0x88: {  	s2 =	sld [smem:$0x3FD9]  }
0x89: {  	s3 =	sld [smem:$0x3FFE];
	_ =	sdelay $0x1  }
0x8a: {  	s1 =	srdreg.scid  }
0x8b: {  	s0 =	sand.u32 $0x1, s1  }
0x8c: {  	s17 =	sshll.u32 s0, $0xA;
	s2 =	sadd.s32 s3, s2  }
0x8d: {  	s2 =	sadd.s32 s2, s17  }
0x8e: {  	[smem:$0x3FC5] =	sst s2  }
0x8f: {  	_ = 	snop  }
0x90: {  	s2 =	sld [smem:$0x3FD0];
	(tm) =	ssettm $0x1  }
0x91: {  	s18 =	sld [smem:$0x3FFB];
	_ =	sdelay $0x3  }
0x92: {  	_ =	strace s18  }
0x93: {  	s3 =	sld [smem:$0x3FFC];
	_ =	sdelay $0x3  }
0x94: {  	_ =	strace s3  }
0x95: {  	s3 =	sld [smem:$0x3FFD];
	_ =	sdelay $0x3  }
0x96: {  	_ =	strace s3  }
0x97: {  	_ =	strace $0x8FFFFFFF  }
0x98: {  	s19 =	sld [smem:$0x3FDB];
	_ =	sdelay $0x1  }
0x99: {  	s4 =	simm.s32 $_scs_section_size  }
0x9a: {  	s5 =	simm.s32 $_size__tile_overlayer_lowered;
	s6 =	simm.s32 $_tile_overlayer_lowered  }
0x9b: {  	s22 =	simm.s32 $0x1BFF;
	s21 =	sshll.u32 s6, $0x1;
	s3 =	sadd.s32 s4, s19  }
0x9c: {  	s7 =	simm.s32 $0x0;
	s20 =	sshll.u32 s5, $0x1;
	s5 =	sadd.s32 s21, s3  }
0x9d: {  	[timem:s7], [sflag:s22] =	dma.local [hbm:s5], s20  }
0x9e: {  	_ =	swait.ge [sflag:s22], s20  }
0x9f: {  	s4 =	ssub.s32 $0x0, s20;
	[sflag:s22] =	ssyncset.done $0x0  }
0xa0: {  	[sflag:s22] =	ssyncadd.s32 s4;
	_ =	sdelay $0x1  }
0xa1: {  	s23 =	simm.s32 $0x1B8B  }
0xa2: {  	_ =	swait.ge [sflag:s23], $0x1  }
0xa3: {  	[sflag:s23] =	ssyncset.done $0x0  }
0xa4: {  	s25 =	simm.s32 $0x1B8E;
	s24 =	sld [smem:$0x3FFE];
	[sflag:s23] =	ssyncadd.s32 $0xFFFFFFFF  }
0xa5: {  	s26 =	simm.s32 $execute0_lowered;
	[smem:$0x3FD2] =	sst s25  }
0xa6: {  	s5 =	sshll.u32 s26, $0x1;
	_ =	strace $0x80000046;
	[dreg:$0x1] =	wrdreg $0xFFFFFFFF  }
0xa7: {  	s28 =	simm.s32 $_size_execute0_lowered;
	s3 =	sadd.s32 s3, s5;
	[dreg:$0x0] =	wrdreg $0x0  }
0xa8: {  	s5 =	sshll.u32 s28, $0x1;
	[dreg:$0x2] =	wrdreg s3  }
0xa9: {  	[dreg:$0x3] =	wrdreg s5  }
0xaa: {  	[dreg:$0x4] =	wrdreg $0xC0  }
0xab: {  	_ =	task [dreg:s7], $0x5FFFF  }
0xac: {  	[dreg:$0x1] =	wrdreg $0xFFFFFFFF  }
0xad: {  	[dreg:$0x0] =	wrdreg $0x60  }
0xae: {  	[dreg:$0x2] =	wrdreg s24  }
0xaf: {  	[dreg:$0x3] =	wrdreg s2  }
0xb0: {  	[dreg:$0x4] =	wrdreg $0x9  }
0xb1: {  	_ =	task.clear_ibuf [dreg:s7], $0x5FFFF;
	_ =	strace $0x90000046  }
0xb2: {  	s29 =	simm.s32 $0x9;
	_ =	strace $0x80000048  }
0xb3: {  	_ =	swait.ge [sflag:s29], $0x1  }
0xb4: {  	[sflag:s29] =	ssyncadd.s32 $0xFFFFFFFF  }
0xb5: {  	_ =	strace $0x90000048  }
0xb6: {  	_ =	sfence  }
0xb7: {  	s30 =	sld [smem:$0x0];
	_ =	sdelay $0x2  }
0xb8: {  	s31 =	sshll.u32 s1, $0xD;
	s1 =	sshrl.u32 s1, $0x2  }
0xb9: {  	s3 =	sand.u32 $0x4000, s31;
	s1 =	sadd.s32 s1, s30  }
0xba: {  	s0 =	sor.u32 s3, s0;
	s1 =	sshll.u32 s1, $0x11  }
0xbb: {  	s0 =	sor.u32 s1, s0  }
0xbc: {  	s0 =	sadd.s32 $0x8F2B, s0  }
0xbd: {  	[sflag:s0] =	ssyncadd.remote.s32 $0x1  }
0xbe: {  	_ =	sfence.sel $0xFFFF  }
0xbf: {  	[dreg:$0x0] =	wrdreg $0xFFFFFFFF;
	(pc) =	sbr.abs _section_cstart, $3  }
0xc0: {  	[dreg:$0x1] =	wrdreg $0xFFFFFFFF  }
0xc1: {  	_ =	task.clear_ibuf [dreg:s7], $0x2FFFF;
	_ =	strace $0x9FFFFFFF  }
0xc2: {  	(tm) =	ssettm $0x7FFFFFFF  }
0xc3: {  	_ =	shalt  }
tec
execute0_lowered:
.L_overlay_start_1:
0x0: {  	(tag) =	ssettag $0x1  }
0x1: {  	s4 =	rddreg [dreg:$0x0]  }
0x2: {  	s6 =	rddreg [dreg:$0x1];
	s2 =	srdreg.scid  }
0x3: {  	s0 =	rddreg [dreg:$0x2];
	s1 =	stileid.u32  }
0x4: {  	s10 =	simm.s32 $0x1;
	s11 =	simm.s32 $0x400;
	s12 =	simm.s32 $0x600  }
0x5: {  	s3 =	sand.u32 $0x1, s2;
	s2 =	simm.s32 $0x0;
	s5 =	sshll.u32 s1, $0x7  }
0x6: {  	s7 =	sshll.u32 s3, $0x6;
	[smem:$0x7FF] =	sst s2;
	s8 =	ssub.s32 $0x2, s3  }
0x7: {  	s3 =	sadd.s32 $0xC00, s4;
	s7 =	sor.u32 s7, s5;
	_ =	strace $0x80000047  }
0x8: {  	s9 =	sshrl.u32 s8, $0x1;
	s5 =	sadd.s32 s7, s4;
	s4 =	sadd.s32 $0xA00, s4  }
0x9: {  	s8 =	ssub.s32 s8, s9;
	s6 =	sadd.s32 s6, s7;
	s9 =	simm.s32 $0x200  }
0xa: {  	s5 =	sadd.s32 $0xE00, s5;
	s7 =	smax.u32 s8, $0x1;
	s8 =	simm.s32 $0x2  }
.LBB2_1:
0xb: {  	[tilespmem:s2], [sflag:$0x2] =	stream.linear.gather [hbm4b:s5+s2], $0x200, $0x38;
	[tilespmem:$0x800] =	vst v63  }
0xc: {  	_ =	swait.ge [sflag:s8], $0x200  }
0xd: {  	[sflag:s8] =	ssyncset.done $0x0  }
0xe: {  	[sflag:s8] =	ssyncadd.s32 $0xFFFFFE00  }
0xf: {  	[tilespmem:s9], [sflag:$0x1] =	stream.indirect.gather [hbm4b:s3+s9], $0x1, s2, s9, $0xb8;
	[tilespmem:$0x800] =	vst v63  }
0x10: {  	_ =	swait.ge [sflag:s10], $0x200  }
0x11: {  	[sflag:s10] =	ssyncset.done $0x0  }
0x12: {  	[sflag:s10] =	ssyncadd.s32 $0xFFFFFE00  }
0x13: {  	[tilespmem:s11], [sflag:$0x1] =	stream.indirect.gather [hbm4b:s4+s9], $0x1, s2, s9, $0xb8;
	[tilespmem:$0x800] =	vst v63  }
0x14: {  	_ =	swait.ge [sflag:s10], $0x200  }
0x15: {  	[sflag:s10] =	ssyncset.done $0x0  }
0x16: {  	[sflag:s10] =	ssyncadd.s32 $0xFFFFFE00  }
0x17: {  	v0 =	vld [tilespmem:$0x200]  }
0x18: {  	v1 =	vld [tilespmem:$0x400];
	_ =	sdelay $0x3  }
0x19: {  	v0 =	vand.u32 $0x7FFFFFFF, v0  }
0x1a: {  	v1 =	vmul.f32 $4.000000060e-01, v1;
	v0 =	vmul.f32 $6.000000240e-01, v0;
	_ =	sdelay $0x1  }
0x1b: {  	v0 =	vadd.f32 v1, v0;
	_ =	sdelay $0x1  }
0x1c: {  	v0 =	vsub.f32 $0.0e+00, v0;
	_ =	sdelay $0x1  }
0x1d: {  	v0 =	vmul.f32 $1.442695020e+00, v0  }
0x1e: {  	v18 =	vld [tilespmem:$0x210]  }
0x1f: {  	v19 =	vld [tilespmem:$0x410];
	(erf) = vpow2.f32 v0;
	_ =	sdelay $0x3  }
0x20: {  	v1 =	vand.u32 $0x7FFFFFFF, v18  }
0x21: {  	v1 =	vmul.f32 $6.000000240e-01, v1;
	v0 =	vmul.f32 $4.000000060e-01, v19;
	_ =	sdelay $0x1  }
0x22: {  	v0 =	vadd.f32 v0, v1;
	_ =	sdelay $0x1  }
0x23: {  	v0 =	vsub.f32 $0.0e+00, v0;
	v20 =	vpop (erf)  }
0x24: {  	v1 =	vadd.f32 $1.000000000e+00, v20  }
0x25: {  	v21 =	vld [tilespmem:$0x220];
	v0 =	vmul.f32 $1.442695020e+00, v0  }
0x26: {  	v22 =	vld [tilespmem:$0x420];
	(erf) = vrcp.f32 v1  }
0x27: {  	(erf) = vpow2.f32 v0;
	_ =	sdelay $0x3  }
0x28: {  	v1 =	vand.u32 $0x7FFFFFFF, v21;
	v0 =	vmul.f32 $4.000000060e-01, v22  }
0x29: {  	v1 =	vmul.f32 $6.000000240e-01, v1;
	_ =	sdelay $0x1  }
0x2a: {  	v1 =	vadd.f32 v0, v1  }
0x2b: {  	v0 =	vpop (erf)  }
0x2c: {  	v1 =	vsub.f32 $0.0e+00, v1;
	v2 =	vpop (erf)  }
0x2d: {  	v2 =	vadd.f32 $1.000000000e+00, v2  }
0x2e: {  	v23 =	vld [tilespmem:$0x230];
	v1 =	vmul.f32 $1.442695020e+00, v1  }
0x2f: {  	v24 =	vld [tilespmem:$0x430];
	(erf) = vrcp.f32 v2  }
0x30: {  	(erf) = vpow2.f32 v1;
	_ =	sdelay $0x3  }
0x31: {  	v2 =	vand.u32 $0x7FFFFFFF, v23;
	v1 =	vmul.f32 $4.000000060e-01, v24  }
0x32: {  	v2 =	vmul.f32 $6.000000240e-01, v2;
	_ =	sdelay $0x1  }
0x33: {  	v2 =	vadd.f32 v1, v2  }
0x34: {  	v1 =	vpop (erf)  }
0x35: {  	v2 =	vsub.f32 $0.0e+00, v2;
	v3 =	vpop (erf)  }
0x36: {  	v3 =	vadd.f32 $1.000000000e+00, v3  }
0x37: {  	v25 =	vld [tilespmem:$0x240];
	v2 =	vmul.f32 $1.442695020e+00, v2  }
0x38: {  	v26 =	vld [tilespmem:$0x440];
	(erf) = vrcp.f32 v3  }
0x39: {  	(erf) = vpow2.f32 v2;
	_ =	sdelay $0x3  }
0x3a: {  	v3 =	vand.u32 $0x7FFFFFFF, v25;
	v2 =	vmul.f32 $4.000000060e-01, v26  }
0x3b: {  	v3 =	vmul.f32 $6.000000240e-01, v3;
	_ =	sdelay $0x1  }
0x3c: {  	v3 =	vadd.f32 v2, v3  }
0x3d: {  	v2 =	vpop (erf)  }
0x3e: {  	v3 =	vsub.f32 $0.0e+00, v3;
	v4 =	vpop (erf)  }
0x3f: {  	v4 =	vadd.f32 $1.000000000e+00, v4  }
0x40: {  	v27 =	vld [tilespmem:$0x250];
	v3 =	vmul.f32 $1.442695020e+00, v3  }
0x41: {  	v28 =	vld [tilespmem:$0x450];
	(erf) = vrcp.f32 v4  }
0x42: {  	(erf) = vpow2.f32 v3;
	_ =	sdelay $0x3  }
0x43: {  	v4 =	vand.u32 $0x7FFFFFFF, v27;
	v3 =	vmul.f32 $4.000000060e-01, v28  }
0x44: {  	v4 =	vmul.f32 $6.000000240e-01, v4;
	_ =	sdelay $0x1  }
0x45: {  	v4 =	vadd.f32 v3, v4  }
0x46: {  	v3 =	vpop (erf)  }
0x47: {  	v4 =	vsub.f32 $0.0e+00, v4;
	v5 =	vpop (erf)  }
0x48: {  	v5 =	vadd.f32 $1.000000000e+00, v5  }
0x49: {  	v29 =	vld [tilespmem:$0x260];
	v4 =	vmul.f32 $1.442695020e+00, v4  }
0x4a: {  	v30 =	vld [tilespmem:$0x460];
	(erf) = vrcp.f32 v5  }
0x4b: {  	(erf) = vpow2.f32 v4;
	_ =	sdelay $0x3  }
0x4c: {  	v5 =	vand.u32 $0x7FFFFFFF, v29;
	v4 =	vmul.f32 $4.000000060e-01, v30  }
0x4d: {  	v5 =	vmul.f32 $6.000000240e-01, v5;
	_ =	sdelay $0x1  }
0x4e: {  	v5 =	vadd.f32 v4, v5  }
0x4f: {  	v4 =	vpop (erf)  }
0x50: {  	v5 =	vsub.f32 $0.0e+00, v5;
	v6 =	vpop (erf)  }
0x51: {  	v6 =	vadd.f32 $1.000000000e+00, v6  }
0x52: {  	v31 =	vld [tilespmem:$0x270];
	v5 =	vmul.f32 $1.442695020e+00, v5  }
0x53: {  	v32 =	vld [tilespmem:$0x470];
	(erf) = vrcp.f32 v6  }
0x54: {  	(erf) = vpow2.f32 v5;
	_ =	sdelay $0x3  }
0x55: {  	v6 =	vand.u32 $0x7FFFFFFF, v31;
	v5 =	vmul.f32 $4.000000060e-01, v32  }
0x56: {  	v6 =	vmul.f32 $6.000000240e-01, v6;
	_ =	sdelay $0x1  }
0x57: {  	v6 =	vadd.f32 v5, v6  }
0x58: {  	v5 =	vpop (erf)  }
0x59: {  	v6 =	vsub.f32 $0.0e+00, v6;
	v7 =	vpop (erf)  }
0x5a: {  	v7 =	vadd.f32 $1.000000000e+00, v7  }
0x5b: {  	v33 =	vld [tilespmem:$0x280];
	v6 =	vmul.f32 $1.442695020e+00, v6  }
0x5c: {  	v34 =	vld [tilespmem:$0x480];
	(erf) = vrcp.f32 v7  }
0x5d: {  	(erf) = vpow2.f32 v6;
	_ =	sdelay $0x3  }
0x5e: {  	v7 =	vand.u32 $0x7FFFFFFF, v33;
	v6 =	vmul.f32 $4.000000060e-01, v34  }
0x5f: {  	v7 =	vmul.f32 $6.000000240e-01, v7;
	_ =	sdelay $0x1  }
0x60: {  	v7 =	vadd.f32 v6, v7  }
0x61: {  	v6 =	vpop (erf)  }
0x62: {  	v7 =	vsub.f32 $0.0e+00, v7;
	v8 =	vpop (erf)  }
0x63: {  	v8 =	vadd.f32 $1.000000000e+00, v8  }
0x64: {  	v35 =	vld [tilespmem:$0x290];
	v7 =	vmul.f32 $1.442695020e+00, v7  }
0x65: {  	v36 =	vld [tilespmem:$0x490];
	(erf) = vrcp.f32 v8  }
0x66: {  	(erf) = vpow2.f32 v7;
	_ =	sdelay $0x3  }
0x67: {  	v8 =	vand.u32 $0x7FFFFFFF, v35;
	v7 =	vmul.f32 $4.000000060e-01, v36  }
0x68: {  	v8 =	vmul.f32 $6.000000240e-01, v8;
	_ =	sdelay $0x1  }
0x69: {  	v8 =	vadd.f32 v7, v8  }
0x6a: {  	v7 =	vpop (erf)  }
0x6b: {  	v8 =	vsub.f32 $0.0e+00, v8;
	v9 =	vpop (erf)  }
0x6c: {  	v9 =	vadd.f32 $1.000000000e+00, v9  }
0x6d: {  	v37 =	vld [tilespmem:$0x2A0];
	v8 =	vmul.f32 $1.442695020e+00, v8  }
0x6e: {  	v38 =	vld [tilespmem:$0x4A0];
	(erf) = vrcp.f32 v9  }
0x6f: {  	(erf) = vpow2.f32 v8;
	_ =	sdelay $0x3  }
0x70: {  	v9 =	vand.u32 $0x7FFFFFFF, v37;
	v8 =	vmul.f32 $4.000000060e-01, v38  }
0x71: {  	v9 =	vmul.f32 $6.000000240e-01, v9;
	_ =	sdelay $0x1  }
0x72: {  	v9 =	vadd.f32 v8, v9  }
0x73: {  	v8 =	vpop (erf)  }
0x74: {  	v9 =	vsub.f32 $0.0e+00, v9;
	v10 =	vpop (erf)  }
0x75: {  	v10 =	vadd.f32 $1.000000000e+00, v10  }
0x76: {  	v39 =	vld [tilespmem:$0x2B0];
	v9 =	vmul.f32 $1.442695020e+00, v9  }
0x77: {  	v40 =	vld [tilespmem:$0x4B0];
	(erf) = vrcp.f32 v10  }
0x78: {  	(erf) = vpow2.f32 v9;
	_ =	sdelay $0x3  }
0x79: {  	v10 =	vand.u32 $0x7FFFFFFF, v39;
	v9 =	vmul.f32 $4.000000060e-01, v40  }
0x7a: {  	v10 =	vmul.f32 $6.000000240e-01, v10;
	_ =	sdelay $0x1  }
0x7b: {  	v10 =	vadd.f32 v9, v10  }
0x7c: {  	v9 =	vpop (erf)  }
0x7d: {  	v10 =	vsub.f32 $0.0e+00, v10;
	v11 =	vpop (erf)  }
0x7e: {  	v11 =	vadd.f32 $1.000000000e+00, v11  }
0x7f: {  	v41 =	vld [tilespmem:$0x2C0];
	v10 =	vmul.f32 $1.442695020e+00, v10  }
0x80: {  	v42 =	vld [tilespmem:$0x4C0];
	(erf) = vrcp.f32 v11  }
0x81: {  	(erf) = vpow2.f32 v10;
	_ =	sdelay $0x3  }
0x82: {  	v11 =	vand.u32 $0x7FFFFFFF, v41;
	v10 =	vmul.f32 $4.000000060e-01, v42  }
0x83: {  	v11 =	vmul.f32 $6.000000240e-01, v11;
	_ =	sdelay $0x1  }
0x84: {  	v11 =	vadd.f32 v10, v11  }
0x85: {  	v10 =	vpop (erf)  }
0x86: {  	v11 =	vsub.f32 $0.0e+00, v11;
	v12 =	vpop (erf)  }
0x87: {  	v12 =	vadd.f32 $1.000000000e+00, v12  }
0x88: {  	v43 =	vld [tilespmem:$0x2D0];
	v11 =	vmul.f32 $1.442695020e+00, v11  }
0x89: {  	v44 =	vld [tilespmem:$0x4D0];
	(erf) = vrcp.f32 v12  }
0x8a: {  	(erf) = vpow2.f32 v11;
	_ =	sdelay $0x3  }
0x8b: {  	v12 =	vand.u32 $0x7FFFFFFF, v43;
	v11 =	vmul.f32 $4.000000060e-01, v44  }
0x8c: {  	v12 =	vmul.f32 $6.000000240e-01, v12;
	_ =	sdelay $0x1  }
0x8d: {  	v12 =	vadd.f32 v11, v12  }
0x8e: {  	v11 =	vpop (erf)  }
0x8f: {  	v12 =	vsub.f32 $0.0e+00, v12;
	v13 =	vpop (erf)  }
0x90: {  	v13 =	vadd.f32 $1.000000000e+00, v13  }
0x91: {  	v45 =	vld [tilespmem:$0x2E0];
	v12 =	vmul.f32 $1.442695020e+00, v12  }
0x92: {  	v46 =	vld [tilespmem:$0x4E0];
	(erf) = vrcp.f32 v13  }
0x93: {  	(erf) = vpow2.f32 v12;
	_ =	sdelay $0x3  }
0x94: {  	v13 =	vand.u32 $0x7FFFFFFF, v45;
	v12 =	vmul.f32 $4.000000060e-01, v46  }
0x95: {  	v13 =	vmul.f32 $6.000000240e-01, v13;
	_ =	sdelay $0x1  }
0x96: {  	v13 =	vadd.f32 v12, v13  }
0x97: {  	v12 =	vpop (erf)  }
0x98: {  	v13 =	vsub.f32 $0.0e+00, v13;
	v14 =	vpop (erf)  }
0x99: {  	v14 =	vadd.f32 $1.000000000e+00, v14  }
0x9a: {  	v47 =	vld [tilespmem:$0x2F0];
	v13 =	vmul.f32 $1.442695020e+00, v13  }
0x9b: {  	v48 =	vld [tilespmem:$0x4F0];
	(erf) = vrcp.f32 v14  }
0x9c: {  	(erf) = vpow2.f32 v13;
	_ =	sdelay $0x3  }
0x9d: {  	v14 =	vand.u32 $0x7FFFFFFF, v47;
	v13 =	vmul.f32 $4.000000060e-01, v48  }
0x9e: {  	v14 =	vmul.f32 $6.000000240e-01, v14;
	_ =	sdelay $0x1  }
0x9f: {  	v14 =	vadd.f32 v13, v14  }
0xa0: {  	v13 =	vpop (erf)  }
0xa1: {  	v14 =	vsub.f32 $0.0e+00, v14;
	v15 =	vpop (erf)  }
0xa2: {  	v15 =	vadd.f32 $1.000000000e+00, v15  }
0xa3: {  	v49 =	vld [tilespmem:$0x300];
	v14 =	vmul.f32 $1.442695020e+00, v14  }
0xa4: {  	v50 =	vld [tilespmem:$0x500];
	(erf) = vrcp.f32 v15  }
0xa5: {  	(erf) = vpow2.f32 v14;
	_ =	sdelay $0x3  }
0xa6: {  	v15 =	vand.u32 $0x7FFFFFFF, v49;
	v14 =	vmul.f32 $4.000000060e-01, v50  }
0xa7: {  	v15 =	vmul.f32 $6.000000240e-01, v15;
	_ =	sdelay $0x1  }
0xa8: {  	v15 =	vadd.f32 v14, v15  }
0xa9: {  	v14 =	vpop (erf)  }
0xaa: {  	v15 =	vsub.f32 $0.0e+00, v15;
	v16 =	vpop (erf)  }
0xab: {  	v16 =	vadd.f32 $1.000000000e+00, v16  }
0xac: {  	v51 =	vld [tilespmem:$0x310];
	v15 =	vmul.f32 $1.442695020e+00, v15  }
0xad: {  	v52 =	vld [tilespmem:$0x510];
	(erf) = vrcp.f32 v16  }
0xae: {  	(erf) = vpow2.f32 v15;
	_ =	sdelay $0x3  }
0xaf: {  	v16 =	vand.u32 $0x7FFFFFFF, v51;
	v15 =	vmul.f32 $4.000000060e-01, v52  }
0xb0: {  	v16 =	vmul.f32 $6.000000240e-01, v16;
	_ =	sdelay $0x1  }
0xb1: {  	v16 =	vadd.f32 v15, v16  }
0xb2: {  	v15 =	vpop (erf)  }
0xb3: {  	v16 =	vsub.f32 $0.0e+00, v16;
	v17 =	vpop (erf)  }
0xb4: {  	v17 =	vadd.f32 $1.000000000e+00, v17  }
0xb5: {  	v53 =	vld [tilespmem:$0x320];
	v16 =	vmul.f32 $1.442695020e+00, v16  }
0xb6: {  	v54 =	vld [tilespmem:$0x520];
	(erf) = vrcp.f32 v17  }
0xb7: {  	(erf) = vpow2.f32 v16;
	_ =	sdelay $0x3  }
0xb8: {  	v17 =	vand.u32 $0x7FFFFFFF, v53;
	v16 =	vmul.f32 $4.000000060e-01, v54  }
0xb9: {  	v17 =	vmul.f32 $6.000000240e-01, v17;
	_ =	sdelay $0x1  }
0xba: {  	v17 =	vadd.f32 v16, v17  }
0xbb: {  	v16 =	vpop (erf)  }
0xbc: {  	v17 =	vsub.f32 $0.0e+00, v17;
	v18 =	vpop (erf)  }
0xbd: {  	v18 =	vadd.f32 $1.000000000e+00, v18  }
0xbe: {  	v55 =	vld [tilespmem:$0x330];
	v17 =	vmul.f32 $1.442695020e+00, v17  }
0xbf: {  	v56 =	vld [tilespmem:$0x530];
	(erf) = vrcp.f32 v18  }
0xc0: {  	(erf) = vpow2.f32 v17;
	_ =	sdelay $0x3  }
0xc1: {  	v18 =	vand.u32 $0x7FFFFFFF, v55;
	v17 =	vmul.f32 $4.000000060e-01, v56  }
0xc2: {  	v18 =	vmul.f32 $6.000000240e-01, v18;
	_ =	sdelay $0x1  }
0xc3: {  	v18 =	vadd.f32 v17, v18  }
0xc4: {  	v17 =	vpop (erf)  }
0xc5: {  	v18 =	vsub.f32 $0.0e+00, v18;
	v19 =	vpop (erf)  }
0xc6: {  	v19 =	vadd.f32 $1.000000000e+00, v19  }
0xc7: {  	v57 =	vld [tilespmem:$0x340];
	v18 =	vmul.f32 $1.442695020e+00, v18  }
0xc8: {  	v58 =	vld [tilespmem:$0x540];
	(erf) = vrcp.f32 v19  }
0xc9: {  	(erf) = vpow2.f32 v18;
	_ =	sdelay $0x3  }
0xca: {  	v19 =	vand.u32 $0x7FFFFFFF, v57;
	v18 =	vmul.f32 $4.000000060e-01, v58  }
0xcb: {  	v19 =	vmul.f32 $6.000000240e-01, v19;
	_ =	sdelay $0x1  }
0xcc: {  	v19 =	vadd.f32 v18, v19  }
0xcd: {  	v18 =	vpop (erf)  }
0xce: {  	v19 =	vsub.f32 $0.0e+00, v19;
	v20 =	vpop (erf)  }
0xcf: {  	v20 =	vadd.f32 $1.000000000e+00, v20  }
0xd0: {  	v59 =	vld [tilespmem:$0x350];
	v19 =	vmul.f32 $1.442695020e+00, v19  }
0xd1: {  	v60 =	vld [tilespmem:$0x550];
	(erf) = vrcp.f32 v20  }
0xd2: {  	(erf) = vpow2.f32 v19;
	_ =	sdelay $0x3  }
0xd3: {  	v20 =	vand.u32 $0x7FFFFFFF, v59;
	v19 =	vmul.f32 $4.000000060e-01, v60  }
0xd4: {  	v20 =	vmul.f32 $6.000000240e-01, v20;
	_ =	sdelay $0x1  }
0xd5: {  	v20 =	vadd.f32 v19, v20  }
0xd6: {  	v19 =	vpop (erf)  }
0xd7: {  	v20 =	vsub.f32 $0.0e+00, v20;
	v21 =	vpop (erf)  }
0xd8: {  	v21 =	vadd.f32 $1.000000000e+00, v21  }
0xd9: {  	v20 =	vmul.f32 $1.442695020e+00, v20  }
0xda: {  	v61 =	vld [tilespmem:$0x360];
	(erf) = vrcp.f32 v21  }
0xdb: {  	v62 =	vld [tilespmem:$0x560];
	(erf) = vpow2.f32 v20;
	_ =	sdelay $0x3  }
0xdc: {  	v21 =	vand.u32 $0x7FFFFFFF, v61  }
0xdd: {  	v21 =	vmul.f32 $6.000000240e-01, v21;
	v20 =	vmul.f32 $4.000000060e-01, v62;
	_ =	sdelay $0x1  }
0xde: {  	v21 =	vadd.f32 v20, v21  }
0xdf: {  	v63 =	vpop (erf)  }
0xe0: {  	v21 =	vsub.f32 $0.0e+00, v21;
	v22 =	vpop (erf)  }
0xe1: {  	v22 =	vadd.f32 $1.000000000e+00, v22  }
0xe2: {  	v21 =	vmul.f32 $1.442695020e+00, v21  }
0xe3: {  	v31 =	vld [tilespmem:$0x370];
	(erf) = vrcp.f32 v22  }
0xe4: {  	v32 =	vld [tilespmem:$0x570];
	(erf) = vpow2.f32 v21;
	_ =	sdelay $0x3  }
0xe5: {  	v22 =	vand.u32 $0x7FFFFFFF, v31  }
0xe6: {  	v22 =	vmul.f32 $6.000000240e-01, v22;
	v21 =	vmul.f32 $4.000000060e-01, v32;
	_ =	sdelay $0x1  }
0xe7: {  	v22 =	vadd.f32 v21, v22  }
0xe8: {  	v33 =	vpop (erf)  }
0xe9: {  	v22 =	vsub.f32 $0.0e+00, v22;
	v23 =	vpop (erf)  }
0xea: {  	v23 =	vadd.f32 $1.000000000e+00, v23  }
0xeb: {  	v22 =	vmul.f32 $1.442695020e+00, v22  }
0xec: {  	v34 =	vld [tilespmem:$0x380];
	(erf) = vrcp.f32 v23  }
0xed: {  	v35 =	vld [tilespmem:$0x580];
	(erf) = vpow2.f32 v22;
	_ =	sdelay $0x3  }
0xee: {  	v23 =	vand.u32 $0x7FFFFFFF, v34  }
0xef: {  	v23 =	vmul.f32 $6.000000240e-01, v23;
	v22 =	vmul.f32 $4.000000060e-01, v35;
	_ =	sdelay $0x1  }
0xf0: {  	v22 =	vadd.f32 v22, v23  }
0xf1: {  	v36 =	vpop (erf)  }
0xf2: {  	v22 =	vsub.f32 $0.0e+00, v22;
	v24 =	vpop (erf)  }
0xf3: {  	v24 =	vadd.f32 $1.000000000e+00, v24  }
0xf4: {  	v22 =	vmul.f32 $1.442695020e+00, v22  }
0xf5: {  	v37 =	vld [tilespmem:$0x390];
	(erf) = vrcp.f32 v24  }
0xf6: {  	v38 =	vld [tilespmem:$0x590];
	(erf) = vpow2.f32 v22;
	_ =	sdelay $0x3  }
0xf7: {  	v24 =	vand.u32 $0x7FFFFFFF, v37  }
0xf8: {  	v24 =	vmul.f32 $6.000000240e-01, v24;
	v22 =	vmul.f32 $4.000000060e-01, v38;
	_ =	sdelay $0x1  }
0xf9: {  	v22 =	vadd.f32 v22, v24  }
0xfa: {  	v39 =	vpop (erf)  }
0xfb: {  	v22 =	vsub.f32 $0.0e+00, v22;
	v25 =	vpop (erf)  }
0xfc: {  	v25 =	vadd.f32 $1.000000000e+00, v25  }
0xfd: {  	v22 =	vmul.f32 $1.442695020e+00, v22  }
0xfe: {  	v40 =	vld [tilespmem:$0x3A0];
	(erf) = vrcp.f32 v25  }
0xff: {  	v41 =	vld [tilespmem:$0x5A0];
	(erf) = vpow2.f32 v22;
	_ =	sdelay $0x3  }
0x100: {  	v25 =	vand.u32 $0x7FFFFFFF, v40  }
0x101: {  	v25 =	vmul.f32 $6.000000240e-01, v25;
	v22 =	vmul.f32 $4.000000060e-01, v41;
	_ =	sdelay $0x1  }
0x102: {  	v22 =	vadd.f32 v22, v25  }
0x103: {  	v42 =	vpop (erf)  }
0x104: {  	v22 =	vsub.f32 $0.0e+00, v22;
	v26 =	vpop (erf)  }
0x105: {  	v26 =	vadd.f32 $1.000000000e+00, v26  }
0x106: {  	v22 =	vmul.f32 $1.442695020e+00, v22  }
0x107: {  	v43 =	vld [tilespmem:$0x3B0];
	(erf) = vrcp.f32 v26  }
0x108: {  	v44 =	vld [tilespmem:$0x5B0];
	(erf) = vpow2.f32 v22;
	_ =	sdelay $0x3  }
0x109: {  	v26 =	vand.u32 $0x7FFFFFFF, v43  }
0x10a: {  	v26 =	vmul.f32 $6.000000240e-01, v26;
	v22 =	vmul.f32 $4.000000060e-01, v44;
	_ =	sdelay $0x1  }
0x10b: {  	v22 =	vadd.f32 v22, v26  }
0x10c: {  	v45 =	vpop (erf)  }
0x10d: {  	v22 =	vsub.f32 $0.0e+00, v22;
	v27 =	vpop (erf)  }
0x10e: {  	v27 =	vadd.f32 $1.000000000e+00, v27  }
0x10f: {  	v22 =	vmul.f32 $1.442695020e+00, v22  }
0x110: {  	v46 =	vld [tilespmem:$0x3C0];
	(erf) = vrcp.f32 v27  }
0x111: {  	v47 =	vld [tilespmem:$0x5C0];
	(erf) = vpow2.f32 v22;
	_ =	sdelay $0x3  }
0x112: {  	v27 =	vand.u32 $0x7FFFFFFF, v46  }
0x113: {  	v27 =	vmul.f32 $6.000000240e-01, v27;
	v22 =	vmul.f32 $4.000000060e-01, v47;
	_ =	sdelay $0x1  }
0x114: {  	v22 =	vadd.f32 v22, v27  }
0x115: {  	v48 =	vpop (erf)  }
0x116: {  	v22 =	vsub.f32 $0.0e+00, v22;
	v28 =	vpop (erf)  }
0x117: {  	v28 =	vadd.f32 $1.000000000e+00, v28  }
0x118: {  	v22 =	vmul.f32 $1.442695020e+00, v22  }
0x119: {  	v49 =	vld [tilespmem:$0x3D0];
	(erf) = vrcp.f32 v28  }
0x11a: {  	v50 =	vld [tilespmem:$0x5D0];
	(erf) = vpow2.f32 v22;
	_ =	sdelay $0x3  }
0x11b: {  	v28 =	vand.u32 $0x7FFFFFFF, v49  }
0x11c: {  	v28 =	vmul.f32 $6.000000240e-01, v28;
	v22 =	vmul.f32 $4.000000060e-01, v50;
	_ =	sdelay $0x1  }
0x11d: {  	v22 =	vadd.f32 v22, v28  }
0x11e: {  	v51 =	vpop (erf)  }
0x11f: {  	v22 =	vsub.f32 $0.0e+00, v22;
	v29 =	vpop (erf)  }
0x120: {  	v29 =	vadd.f32 $1.000000000e+00, v29  }
0x121: {  	v22 =	vmul.f32 $1.442695020e+00, v22  }
0x122: {  	v52 =	vld [tilespmem:$0x3E0];
	(erf) = vrcp.f32 v29  }
0x123: {  	v53 =	vld [tilespmem:$0x5E0];
	(erf) = vpow2.f32 v22;
	_ =	sdelay $0x3  }
0x124: {  	v29 =	vand.u32 $0x7FFFFFFF, v52  }
0x125: {  	v29 =	vmul.f32 $6.000000240e-01, v29;
	v22 =	vmul.f32 $4.000000060e-01, v53;
	_ =	sdelay $0x1  }
0x126: {  	v22 =	vadd.f32 v22, v29  }
0x127: {  	v54 =	vpop (erf)  }
0x128: {  	v22 =	vsub.f32 $0.0e+00, v22;
	v30 =	vpop (erf)  }
0x129: {  	v30 =	vadd.f32 $1.000000000e+00, v30  }
0x12a: {  	v22 =	vmul.f32 $1.442695020e+00, v22  }
0x12b: {  	v55 =	vld [tilespmem:$0x3F0];
	(erf) = vrcp.f32 v30  }
0x12c: {  	v56 =	vld [tilespmem:$0x5F0];
	(erf) = vpow2.f32 v22;
	_ =	sdelay $0x3  }
0x12d: {  	[tilespmem:$0x600] =	vst v0;
	v57 =	vand.u32 $0x7FFFFFFF, v55  }
0x12e: {  	[tilespmem:$0x610] =	vst v1;
	v0 =	vmul.f32 $6.000000240e-01, v57;
	v58 =	vmul.f32 $4.000000060e-01, v56  }
0x12f: {  	[tilespmem:$0x620] =	vst v2  }
0x130: {  	[tilespmem:$0x630] =	vst v3;
	v0 =	vadd.f32 v58, v0  }
0x131: {  	[tilespmem:$0x640] =	vst v4;
	v59 =	vpop (erf)  }
0x132: {  	[tilespmem:$0x650] =	vst v5;
	v0 =	vsub.f32 $0.0e+00, v0;
	v60 =	vpop (erf)  }
0x133: {  	[tilespmem:$0x660] =	vst v6;
	v2 =	vadd.f32 $1.000000000e+00, v60  }
0x134: {  	[tilespmem:$0x670] =	vst v7;
	v0 =	vmul.f32 $1.442695020e+00, v0  }
0x135: {  	[tilespmem:$0x680] =	vst v8;
	(erf) = vrcp.f32 v2  }
0x136: {  	[tilespmem:$0x690] =	vst v9;
	(erf) = vpow2.f32 v0  }
0x137: {  	[tilespmem:$0x6A0] =	vst v10  }
0x138: {  	[tilespmem:$0x6B0] =	vst v11  }
0x139: {  	[tilespmem:$0x6C0] =	vst v12  }
0x13a: {  	[tilespmem:$0x6D0] =	vst v13  }
0x13b: {  	[tilespmem:$0x6E0] =	vst v14  }
0x13c: {  	[tilespmem:$0x6F0] =	vst v15  }
0x13d: {  	[tilespmem:$0x700] =	vst v16  }
0x13e: {  	[tilespmem:$0x710] =	vst v17;
	v61 =	vpop (erf)  }
0x13f: {  	[tilespmem:$0x720] =	vst v18;
	v62 =	vpop (erf)  }
0x140: {  	[tilespmem:$0x730] =	vst v19;
	v2 =	vadd.f32 $1.000000000e+00, v62  }
0x141: {  	[tilespmem:$0x740] =	vst v63  }
0x142: {  	[tilespmem:$0x750] =	vst v33;
	(erf) = vrcp.f32 v2  }
0x143: {  	[tilespmem:$0x760] =	vst v36  }
0x144: {  	[tilespmem:$0x770] =	vst v39  }
0x145: {  	[tilespmem:$0x780] =	vst v42  }
0x146: {  	[tilespmem:$0x790] =	vst v45  }
0x147: {  	[tilespmem:$0x7A0] =	vst v48  }
0x148: {  	[tilespmem:$0x7B0] =	vst v51  }
0x149: {  	[tilespmem:$0x7C0] =	vst v54  }
0x14a: {  	[tilespmem:$0x7D0] =	vst v59  }
0x14b: {  	p0 =	sne.s32 s7, $0x1;
	[tilespmem:$0x7E0] =	vst v61;
	v63 =	vpop (erf)  }
.Ltmp0:
0x14c: {  	[tilespmem:$0x7F0] =	vst v63;
	(pc) =	sbr.rel @p0 .LBB2_1-.Ltmp0, $4  }
0x14d: {  	[hbm4b:s6+s2] =	stream.linear.scatter [tilespmem:s12], [sflag:$0x2], $0x200, $0x38;
	[tilespmem:$0x800] =	vst v63  }
0x14e: {  	_ =	swait.ge [sflag:s8], $0x200  }
0x14f: {  	[sflag:s8] =	ssyncset.done $0x0  }
0x150: {  	s7 =	sadd.s32 $0xFFFFFFFF, s7;
	[sflag:s8] =	ssyncadd.s32 $0xFFFFFE00  }
0x151: {  	_ =	sfence.sel $0x180000  }
0x152: {  	[bflag:$0x0] =	sbarrier.arrive $0xFFFF  }
0x153: {  	p0 =	sne.s32 s1, $0x0;
	_ =	strace $0x90000047  }
0x154: {  	s0 =	sadd.s32 @!p0 $0x100000, s0;
	[bflag:$0x2] =	sbarrier.arrive $0xFFFF  }
0x155: {  	[sflag:s0] =	ssyncadd.tile.s32 @!p0 $0x1;
	_ =	shalt  }
.Lfunc_end2:
_tile_overlayer_lowered:
.L_overlay_start_2:
0x156: {  	(tag) =	ssettag $0x2  }
0x157: {  	s0 =	rddreg [dreg:$0x0];
	s2 =	stileid.u32  }
0x158: {  	s1 =	rddreg [dreg:$0x1];
	p0 =	sne.s32 s2, $0x0  }
0x159: {  	s3 =	rddreg [dreg:$0x2];
	[bflag:$0x3] =	sbarrier.arrive $0xFFFF;
	s2 =	simm.s32 @!p0 $0x1C02  }
0x15a: {  	[timem:s3], [sflag:s2] =	dma.local @!p0 [hbm:s0], s1  }
0x15b: {  	s0 =	simm.s32 @!p0 $0x2  }
0x15c: {  	_ =	swait.ge @!p0 [sflag:s0], s1  }
0x15d: {  	s1 =	ssub.s32 @!p0 $0x0, s1;
	[sflag:s0] =	ssyncset.done @!p0 $0x0  }
0x15e: {  	[sflag:s0] =	ssyncadd.s32 @!p0 s1  }
0x15f: {  	[bflag:$0x3] =	sbarrier.arrive $0xFFFF  }
0x160: {  	_ =	shalt  }

</sc_bundles>
